<compile_context>
chip_gen: v7x
topology: tpu7x:2x2x1
jax: 0.10.2.dev20260603
libtpu: 0.0.44.dev20260713+nightly
codegen_flags: <defaults>
</compile_context>

<pallas_src>
import functools

import jax
import jax.numpy as jnp
from jax import lax
from jax.experimental import pallas as pl
from jax.experimental.pallas import tpu as pltpu
from jax.experimental.pallas import tpu_sc as plsc

K = 512
D = 32
BLK = 16384
N = 65536
NB = N // BLK

_NC, _NS = 2, 16
NW = _NC * _NS
BPW = N // NW
CHUNK = 128
NCHUNK = BPW // CHUNK


def _tc_body(x_ref, cb_ref, idx_ref, stats_ref, counts_ref, hcsq_ref):
    step = pl.program_id(0)

    @pl.when(step == 0)
    def _init():
        counts_ref[...] = jnp.zeros_like(counts_ref)
        cb0 = cb_ref[...]
        hcsq_ref[...] = 0.5 * jnp.sum(cb0 * cb0, axis=1, keepdims=True)

    xb = x_ref[...]
    prod = lax.dot_general(cb_ref[...], xb, (((1,), (1,)), ((), ())),
                           preferred_element_type=jnp.float32)
    h = prod - hcsq_ref[...]
    hmax = jnp.max(h, axis=0, keepdims=True)
    mask = h >= hmax
    riota = (K - 1) - lax.broadcasted_iota(jnp.int32, (K, BLK), 0)
    rm = jnp.max(jnp.where(mask, riota, 0), axis=0, keepdims=True)
    idx_ref[0, 0, :] = (K - 1) - rm[0]
    counts_ref[...] += jnp.sum(jnp.where(mask, 1, 0), axis=1, keepdims=True)

    @pl.when(step == NB - 1)
    def _finish():
        p = counts_ref[...].astype(jnp.float32) * (1.0 / N)
        ent = -jnp.sum(p * jnp.log(p + 1e-10))
        perp = jnp.exp(ent)
        div = 1.0 - ent / jnp.log(jnp.float32(K))
        lane = lax.broadcasted_iota(jnp.int32, (1, 128), 1)
        stats_ref[...] = jnp.where(lane == 0, perp,
                                   jnp.where(lane == 1, div, 0.0))


_tc_call = pl.pallas_call(
    _tc_body,
    grid=(NB,),
    in_specs=[
        pl.BlockSpec((BLK, D), lambda i: (i, 0)),
        pl.BlockSpec((K, D), lambda i: (0, 0)),
    ],
    out_specs=[
        pl.BlockSpec((1, 1, BLK), lambda i: (i, 0, 0)),
        pl.BlockSpec((1, 128), lambda i: (0, 0)),
    ],
    out_shape=[
        jax.ShapeDtypeStruct((NB, 1, BLK), jnp.int32),
        jax.ShapeDtypeStruct((1, 128), jnp.float32),
    ],
    scratch_shapes=[pltpu.VMEM((K, 1), jnp.int32),
                    pltpu.VMEM((K, 1), jnp.float32)],
)


@functools.cache
def _make_sc_gather():
    @functools.partial(
        pl.kernel,
        mesh=plsc.VectorSubcoreMesh(core_axis_name="c", subcore_axis_name="s"),
        compiler_params=pltpu.CompilerParams(use_tc_tiling_on_sc=False),
        out_type=jax.ShapeDtypeStruct((N, D), jnp.float32),
        scratch_types=[
            pltpu.VMEM((BPW,), jnp.int32),
            pltpu.VMEM((BPW, D), jnp.float32),
            pltpu.SemaphoreType.DMA,
        ],
    )
    def _sc_gather(cb_hbm, idx_hbm, out_hbm, idx_v, rows_v, sem):
        wid = lax.axis_index("s") * _NC + lax.axis_index("c")
        base = wid * BPW
        pltpu.sync_copy(idx_hbm.at[pl.ds(base, BPW)], idx_v)
        copies = []
        for j in range(NCHUNK):
            copies.append(
                pltpu.async_copy(cb_hbm.at[idx_v.at[pl.ds(j * CHUNK, CHUNK)]],
                                 rows_v.at[pl.ds(j * CHUNK, CHUNK)], sem))
        for c in copies:
            c.wait()
        pltpu.sync_copy(rows_v, out_hbm.at[pl.ds(base, BPW)])

    return _sc_gather


def kernel(x, codebook):
    xr = x.reshape(N, D)
    idx3, stats = _tc_call(xr, codebook)
    idx = idx3.reshape(N)
    quantized = _make_sc_gather()(codebook, idx)
    return quantized, idx, stats[0, 0], stats[0, 1]

# --- scband reference (transcript-rebuilt; emitter-appended) ---
"""Pipeline reference for scband-vector-quantize-image-34359739043 (READ-ONLY COPY).

The authoritative reference and input builder live on the scoring server;
editing this copy changes nothing except your own understanding.
"""

import jax, jax.numpy as jnp
import numpy as np

CODEBOOK_DIM = 512
EMBEDDING_DIM = 32

def setup_inputs(seed: int = 0) -> dict:
    key = jax.random.key(seed)
    k1, k2 = jax.random.split(key)
    x = jax.random.normal(k1, (64, 1024, EMBEDDING_DIM), dtype=jnp.float32)
    # xavier_uniform for codebook weight [K, D]
    fan_in, fan_out = EMBEDDING_DIM, CODEBOOK_DIM
    limit = float(np.sqrt(6.0 / (CODEBOOK_DIM + EMBEDDING_DIM)))
    codebook = jax.random.uniform(k2, (CODEBOOK_DIM, EMBEDDING_DIM), dtype=jnp.float32, minval=-limit, maxval=limit)
    return {"x": x, "codebook": codebook}

def reference(x, codebook):
    # eval-mode forward of VectorQuantizeImage (no EMA buffer updates)
    x_reshaped = x.reshape(-1, EMBEDDING_DIM)
    distance = (jnp.sum(x_reshaped ** 2, axis=1, keepdims=True)
                + jnp.sum(codebook ** 2, axis=1)
                - 2.0 * jnp.matmul(x_reshaped, codebook.T))
    encoding_indices = jnp.argmin(distance, axis=1)
    encodings = jax.nn.one_hot(encoding_indices, CODEBOOK_DIM, dtype=x_reshaped.dtype)
    quantized = jnp.matmul(encodings, codebook)
    avg_probs = jnp.mean(encodings, axis=0)
    log_encoding_sum = -jnp.sum(avg_probs * jnp.log(avg_probs + 1e-10))
    perplexity = jnp.exp(log_encoding_sum)
    entropy = log_encoding_sum
    normalized_entropy = entropy / jnp.log(jnp.asarray(CODEBOOK_DIM, dtype=x.dtype))
    diversity_loss = 1.0 - normalized_entropy
    return (quantized, encoding_indices, perplexity, diversity_loss)

if __name__ == "__main__":
    import jax
    _d = setup_inputs()
    print(jax.jit(kernel)(*tuple(_d.values())))

</pallas_src>

<mosaic_0001>
#map = affine_map<(d0, d1) -> (0, 0)>
#map1 = affine_map<(d0, d1) -> (0)>
module attributes {stable_mosaic.version = 14 : i64} {
  func.func @_sc_gather(%arg0: i32, %arg1: i32, %arg2: memref<512x32xf32, #tpu.memory_space<hbm>>, %arg3: memref<65536xi32, #tpu.memory_space<hbm>>, %arg4: memref<65536x32xf32, #tpu.memory_space<hbm>>, %arg5: memref<2048xi32, #tpu.memory_space<vmem>>, %arg6: memref<2048x32xf32, #tpu.memory_space<vmem>>, %arg7: memref<!tpu.dma_semaphore, #tpu.memory_space<semaphore_mem>>) attributes {dimension_semantics = [#tpu.dimension_semantics<core_parallel>, #tpu.dimension_semantics<subcore_parallel>], iteration_bounds = array<i64: 2, 16>, scalar_prefetch = 0 : i64, scratch_operands = 3 : i64, tpu.core_type = #tpu.core_type<sc_vector_subcore>, window_params = [{transform_indices = #map}, {transform_indices = #map1}, {transform_indices = #map}]} {
    %mul3A = arith.constant 2 : i32
    %mul3A_0 = arith.muli %arg1, %mul3A : i32
    %add3A = arith.addi %mul3A_0, %arg0 : i32
    %mul3A_1 = arith.constant 2048 : i32
    %mul3A_2 = arith.muli %add3A, %mul3A_1 : i32
    "tpu.region"() ({
      %run_scoped3A = tpu.sem_alloc : memref<!tpu.dma_semaphore, #tpu.memory_space<semaphore_mem>>
      %dma_start3A_257 = tpu.memref_slice %arg3[%mul3A_2] : memref<65536xi32, #tpu.memory_space<hbm>> -> memref<2048xi32, #tpu.memory_space<hbm>>
      %dma_start3A_258 = tpu.memref_slice %arg3[%mul3A_2] : memref<65536xi32, #tpu.memory_space<hbm>> -> memref<2048xi32, #tpu.memory_space<hbm>>
      tpu.enqueue_dma source(%dma_start3A_258 : memref<2048xi32, #tpu.memory_space<hbm>>) target(%arg5 : memref<2048xi32, #tpu.memory_space<vmem>>) target_semaphore(%run_scoped3A : memref<!tpu.dma_semaphore, #tpu.memory_space<semaphore_mem>>)
      %dma_wait3A_259 = tpu.memref_slice %arg3[%mul3A_2] : memref<65536xi32, #tpu.memory_space<hbm>> -> memref<2048xi32, #tpu.memory_space<hbm>>
      %dma_wait3A_260 = tpu.memref_slice %arg3[%mul3A_2] : memref<65536xi32, #tpu.memory_space<hbm>> -> memref<2048xi32, #tpu.memory_space<hbm>>
      tpu.wait_dma2 semaphore(%run_scoped3A : memref<!tpu.dma_semaphore, #tpu.memory_space<semaphore_mem>>) src(%dma_wait3A_260 : memref<2048xi32, #tpu.memory_space<hbm>>) dst(%arg5 : memref<2048xi32, #tpu.memory_space<vmem>>)
      tpu.yield
    }) : () -> ()
    %dma_start3A = arith.constant 0 : i32
    %dma_start3A_3 = arith.constant 0 : i32
    %dma_start3A_4 = tpu.memref_slice %arg6[%dma_start3A, %dma_start3A_3] : memref<2048x32xf32, #tpu.memory_space<vmem>> -> memref<128x32xf32, #tpu.memory_space<vmem>>
    %dma_start3A_5 = arith.constant 0 : i32
    %dma_start3A_6 = tpu.memref_slice %arg5[%dma_start3A_5] : memref<2048xi32, #tpu.memory_space<vmem>> -> memref<128xi32, #tpu.memory_space<vmem>>
    %dma_start3A_7 = arith.constant 0 : i32
    %dma_start3A_8 = arith.constant 0 : i32
    %dma_start3A_9 = tpu.memref_slice %arg2[%dma_start3A_7, %dma_start3A_8] : memref<512x32xf32, #tpu.memory_space<hbm>> -> memref<512x32xf32, #tpu.memory_space<hbm>>
    tpu.enqueue_indirect_dma source(%dma_start3A_9 : memref<512x32xf32, #tpu.memory_space<hbm>>) target(%dma_start3A_4 : memref<128x32xf32, #tpu.memory_space<vmem>>) offsets(%dma_start3A_6 : memref<128xi32, #tpu.memory_space<vmem>>) semaphore(%arg7 : memref<!tpu.dma_semaphore, #tpu.memory_space<semaphore_mem>>)
    %dma_start3A_10 = arith.constant 128 : i32
    %dma_start3A_11 = arith.constant 0 : i32
    %dma_start3A_12 = tpu.memref_slice %arg6[%dma_start3A_10, %dma_start3A_11] : memref<2048x32xf32, #tpu.memory_space<vmem>> -> memref<128x32xf32, #tpu.memory_space<vmem>>
    %dma_start3A_13 = arith.constant 128 : i32
    %dma_start3A_14 = tpu.memref_slice %arg5[%dma_start3A_13] : memref<2048xi32, #tpu.memory_space<vmem>> -> memref<128xi32, #tpu.memory_space<vmem>>
    %dma_start3A_15 = arith.constant 0 : i32
    %dma_start3A_16 = arith.constant 0 : i32
    %dma_start3A_17 = tpu.memref_slice %arg2[%dma_start3A_15, %dma_start3A_16] : memref<512x32xf32, #tpu.memory_space<hbm>> -> memref<512x32xf32, #tpu.memory_space<hbm>>
    tpu.enqueue_indirect_dma source(%dma_start3A_17 : memref<512x32xf32, #tpu.memory_space<hbm>>) target(%dma_start3A_12 : memref<128x32xf32, #tpu.memory_space<vmem>>) offsets(%dma_start3A_14 : memref<128xi32, #tpu.memory_space<vmem>>) semaphore(%arg7 : memref<!tpu.dma_semaphore, #tpu.memory_space<semaphore_mem>>)
    %dma_start3A_18 = arith.constant 256 : i32
    %dma_start3A_19 = arith.constant 0 : i32
    %dma_start3A_20 = tpu.memref_slice %arg6[%dma_start3A_18, %dma_start3A_19] : memref<2048x32xf32, #tpu.memory_space<vmem>> -> memref<128x32xf32, #tpu.memory_space<vmem>>
    %dma_start3A_21 = arith.constant 256 : i32
    %dma_start3A_22 = tpu.memref_slice %arg5[%dma_start3A_21] : memref<2048xi32, #tpu.memory_space<vmem>> -> memref<128xi32, #tpu.memory_space<vmem>>
    %dma_start3A_23 = arith.constant 0 : i32
    %dma_start3A_24 = arith.constant 0 : i32
    %dma_start3A_25 = tpu.memref_slice %arg2[%dma_start3A_23, %dma_start3A_24] : memref<512x32xf32, #tpu.memory_space<hbm>> -> memref<512x32xf32, #tpu.memory_space<hbm>>
    tpu.enqueue_indirect_dma source(%dma_start3A_25 : memref<512x32xf32, #tpu.memory_space<hbm>>) target(%dma_start3A_20 : memref<128x32xf32, #tpu.memory_space<vmem>>) offsets(%dma_start3A_22 : memref<128xi32, #tpu.memory_space<vmem>>) semaphore(%arg7 : memref<!tpu.dma_semaphore, #tpu.memory_space<semaphore_mem>>)
    %dma_start3A_26 = arith.constant 384 : i32
    %dma_start3A_27 = arith.constant 0 : i32
    %dma_start3A_28 = tpu.memref_slice %arg6[%dma_start3A_26, %dma_start3A_27] : memref<2048x32xf32, #tpu.memory_space<vmem>> -> memref<128x32xf32, #tpu.memory_space<vmem>>
    %dma_start3A_29 = arith.constant 384 : i32
    %dma_start3A_30 = tpu.memref_slice %arg5[%dma_start3A_29] : memref<2048xi32, #tpu.memory_space<vmem>> -> memref<128xi32, #tpu.memory_space<vmem>>
    %dma_start3A_31 = arith.constant 0 : i32
    %dma_start3A_32 = arith.constant 0 : i32
    %dma_start3A_33 = tpu.memref_slice %arg2[%dma_start3A_31, %dma_start3A_32] : memref<512x32xf32, #tpu.memory_space<hbm>> -> memref<512x32xf32, #tpu.memory_space<hbm>>
    tpu.enqueue_indirect_dma source(%dma_start3A_33 : memref<512x32xf32, #tpu.memory_space<hbm>>) target(%dma_start3A_28 : memref<128x32xf32, #tpu.memory_space<vmem>>) offsets(%dma_start3A_30 : memref<128xi32, #tpu.memory_space<vmem>>) semaphore(%arg7 : memref<!tpu.dma_semaphore, #tpu.memory_space<semaphore_mem>>)
    %dma_start3A_34 = arith.constant 512 : i32
    %dma_start3A_35 = arith.constant 0 : i32
    %dma_start3A_36 = tpu.memref_slice %arg6[%dma_start3A_34, %dma_start3A_35] : memref<2048x32xf32, #tpu.memory_space<vmem>> -> memref<128x32xf32, #tpu.memory_space<vmem>>
    %dma_start3A_37 = arith.constant 512 : i32
    %dma_start3A_38 = tpu.memref_slice %arg5[%dma_start3A_37] : memref<2048xi32, #tpu.memory_space<vmem>> -> memref<128xi32, #tpu.memory_space<vmem>>
    %dma_start3A_39 = arith.constant 0 : i32
    %dma_start3A_40 = arith.constant 0 : i32
    %dma_start3A_41 = tpu.memref_slice %arg2[%dma_start3A_39, %dma_start3A_40] : memref<512x32xf32, #tpu.memory_space<hbm>> -> memref<512x32xf32, #tpu.memory_space<hbm>>
    tpu.enqueue_indirect_dma source(%dma_start3A_41 : memref<512x32xf32, #tpu.memory_space<hbm>>) target(%dma_start3A_36 : memref<128x32xf32, #tpu.memory_space<vmem>>) offsets(%dma_start3A_38 : memref<128xi32, #tpu.memory_space<vmem>>) semaphore(%arg7 : memref<!tpu.dma_semaphore, #tpu.memory_space<semaphore_mem>>)
    %dma_start3A_42 = arith.constant 640 : i32
    %dma_start3A_43 = arith.constant 0 : i32
    %dma_start3A_44 = tpu.memref_slice %arg6[%dma_start3A_42, %dma_start3A_43] : memref<2048x32xf32, #tpu.memory_space<vmem>> -> memref<128x32xf32, #tpu.memory_space<vmem>>
    %dma_start3A_45 = arith.constant 640 : i32
    %dma_start3A_46 = tpu.memref_slice %arg5[%dma_start3A_45] : memref<2048xi32, #tpu.memory_space<vmem>> -> memref<128xi32, #tpu.memory_space<vmem>>
    %dma_start3A_47 = arith.constant 0 : i32
    %dma_start3A_48 = arith.constant 0 : i32
    %dma_start3A_49 = tpu.memref_slice %arg2[%dma_start3A_47, %dma_start3A_48] : memref<512x32xf32, #tpu.memory_space<hbm>> -> memref<512x32xf32, #tpu.memory_space<hbm>>
    tpu.enqueue_indirect_dma source(%dma_start3A_49 : memref<512x32xf32, #tpu.memory_space<hbm>>) target(%dma_start3A_44 : memref<128x32xf32, #tpu.memory_space<vmem>>) offsets(%dma_start3A_46 : memref<128xi32, #tpu.memory_space<vmem>>) semaphore(%arg7 : memref<!tpu.dma_semaphore, #tpu.memory_space<semaphore_mem>>)
    %dma_start3A_50 = arith.constant 768 : i32
    %dma_start3A_51 = arith.constant 0 : i32
    %dma_start3A_52 = tpu.memref_slice %arg6[%dma_start3A_50, %dma_start3A_51] : memref<2048x32xf32, #tpu.memory_space<vmem>> -> memref<128x32xf32, #tpu.memory_space<vmem>>
    %dma_start3A_53 = arith.constant 768 : i32
    %dma_start3A_54 = tpu.memref_slice %arg5[%dma_start3A_53] : memref<2048xi32, #tpu.memory_space<vmem>> -> memref<128xi32, #tpu.memory_space<vmem>>
    %dma_start3A_55 = arith.constant 0 : i32
    %dma_start3A_56 = arith.constant 0 : i32
    %dma_start3A_57 = tpu.memref_slice %arg2[%dma_start3A_55, %dma_start3A_56] : memref<512x32xf32, #tpu.memory_space<hbm>> -> memref<512x32xf32, #tpu.memory_space<hbm>>
    tpu.enqueue_indirect_dma source(%dma_start3A_57 : memref<512x32xf32, #tpu.memory_space<hbm>>) target(%dma_start3A_52 : memref<128x32xf32, #tpu.memory_space<vmem>>) offsets(%dma_start3A_54 : memref<128xi32, #tpu.memory_space<vmem>>) semaphore(%arg7 : memref<!tpu.dma_semaphore, #tpu.memory_space<semaphore_mem>>)
    %dma_start3A_58 = arith.constant 896 : i32
    %dma_start3A_59 = arith.constant 0 : i32
    %dma_start3A_60 = tpu.memref_slice %arg6[%dma_start3A_58, %dma_start3A_59] : memref<2048x32xf32, #tpu.memory_space<vmem>> -> memref<128x32xf32, #tpu.memory_space<vmem>>
    %dma_start3A_61 = arith.constant 896 : i32
    %dma_start3A_62 = tpu.memref_slice %arg5[%dma_start3A_61] : memref<2048xi32, #tpu.memory_space<vmem>> -> memref<128xi32, #tpu.memory_space<vmem>>
    %dma_start3A_63 = arith.constant 0 : i32
    %dma_start3A_64 = arith.constant 0 : i32
    %dma_start3A_65 = tpu.memref_slice %arg2[%dma_start3A_63, %dma_start3A_64] : memref<512x32xf32, #tpu.memory_space<hbm>> -> memref<512x32xf32, #tpu.memory_space<hbm>>
    tpu.enqueue_indirect_dma source(%dma_start3A_65 : memref<512x32xf32, #tpu.memory_space<hbm>>) target(%dma_start3A_60 : memref<128x32xf32, #tpu.memory_space<vmem>>) offsets(%dma_start3A_62 : memref<128xi32, #tpu.memory_space<vmem>>) semaphore(%arg7 : memref<!tpu.dma_semaphore, #tpu.memory_space<semaphore_mem>>)
    %dma_start3A_66 = arith.constant 1024 : i32
    %dma_start3A_67 = arith.constant 0 : i32
    %dma_start3A_68 = tpu.memref_slice %arg6[%dma_start3A_66, %dma_start3A_67] : memref<2048x32xf32, #tpu.memory_space<vmem>> -> memref<128x32xf32, #tpu.memory_space<vmem>>
    %dma_start3A_69 = arith.constant 1024 : i32
    %dma_start3A_70 = tpu.memref_slice %arg5[%dma_start3A_69] : memref<2048xi32, #tpu.memory_space<vmem>> -> memref<128xi32, #tpu.memory_space<vmem>>
    %dma_start3A_71 = arith.constant 0 : i32
    %dma_start3A_72 = arith.constant 0 : i32
    %dma_start3A_73 = tpu.memref_slice %arg2[%dma_start3A_71, %dma_start3A_72] : memref<512x32xf32, #tpu.memory_space<hbm>> -> memref<512x32xf32, #tpu.memory_space<hbm>>
    tpu.enqueue_indirect_dma source(%dma_start3A_73 : memref<512x32xf32, #tpu.memory_space<hbm>>) target(%dma_start3A_68 : memref<128x32xf32, #tpu.memory_space<vmem>>) offsets(%dma_start3A_70 : memref<128xi32, #tpu.memory_space<vmem>>) semaphore(%arg7 : memref<!tpu.dma_semaphore, #tpu.memory_space<semaphore_mem>>)
    %dma_start3A_74 = arith.constant 1152 : i32
    %dma_start3A_75 = arith.constant 0 : i32
    %dma_start3A_76 = tpu.memref_slice %arg6[%dma_start3A_74, %dma_start3A_75] : memref<2048x32xf32, #tpu.memory_space<vmem>> -> memref<128x32xf32, #tpu.memory_space<vmem>>
    %dma_start3A_77 = arith.constant 1152 : i32
    %dma_start3A_78 = tpu.memref_slice %arg5[%dma_start3A_77] : memref<2048xi32, #tpu.memory_space<vmem>> -> memref<128xi32, #tpu.memory_space<vmem>>
    %dma_start3A_79 = arith.constant 0 : i32
    %dma_start3A_80 = arith.constant 0 : i32
    %dma_start3A_81 = tpu.memref_slice %arg2[%dma_start3A_79, %dma_start3A_80] : memref<512x32xf32, #tpu.memory_space<hbm>> -> memref<512x32xf32, #tpu.memory_space<hbm>>
    tpu.enqueue_indirect_dma source(%dma_start3A_81 : memref<512x32xf32, #tpu.memory_space<hbm>>) target(%dma_start3A_76 : memref<128x32xf32, #tpu.memory_space<vmem>>) offsets(%dma_start3A_78 : memref<128xi32, #tpu.memory_space<vmem>>) semaphore(%arg7 : memref<!tpu.dma_semaphore, #tpu.memory_space<semaphore_mem>>)
    %dma_start3A_82 = arith.constant 1280 : i32
    %dma_start3A_83 = arith.constant 0 : i32
    %dma_start3A_84 = tpu.memref_slice %arg6[%dma_start3A_82, %dma_start3A_83] : memref<2048x32xf32, #tpu.memory_space<vmem>> -> memref<128x32xf32, #tpu.memory_space<vmem>>
    %dma_start3A_85 = arith.constant 1280 : i32
    %dma_start3A_86 = tpu.memref_slice %arg5[%dma_start3A_85] : memref<2048xi32, #tpu.memory_space<vmem>> -> memref<128xi32, #tpu.memory_space<vmem>>
    %dma_start3A_87 = arith.constant 0 : i32
    %dma_start3A_88 = arith.constant 0 : i32
    %dma_start3A_89 = tpu.memref_slice %arg2[%dma_start3A_87, %dma_start3A_88] : memref<512x32xf32, #tpu.memory_space<hbm>> -> memref<512x32xf32, #tpu.memory_space<hbm>>
    tpu.enqueue_indirect_dma source(%dma_start3A_89 : memref<512x32xf32, #tpu.memory_space<hbm>>) target(%dma_start3A_84 : memref<128x32xf32, #tpu.memory_space<vmem>>) offsets(%dma_start3A_86 : memref<128xi32, #tpu.memory_space<vmem>>) semaphore(%arg7 : memref<!tpu.dma_semaphore, #tpu.memory_space<semaphore_mem>>)
    %dma_start3A_90 = arith.constant 1408 : i32
    %dma_start3A_91 = arith.constant 0 : i32
    %dma_start3A_92 = tpu.memref_slice %arg6[%dma_start3A_90, %dma_start3A_91] : memref<2048x32xf32, #tpu.memory_space<vmem>> -> memref<128x32xf32, #tpu.memory_space<vmem>>
    %dma_start3A_93 = arith.constant 1408 : i32
    %dma_start3A_94 = tpu.memref_slice %arg5[%dma_start3A_93] : memref<2048xi32, #tpu.memory_space<vmem>> -> memref<128xi32, #tpu.memory_space<vmem>>
    %dma_start3A_95 = arith.constant 0 : i32
    %dma_start3A_96 = arith.constant 0 : i32
    %dma_start3A_97 = tpu.memref_slice %arg2[%dma_start3A_95, %dma_start3A_96] : memref<512x32xf32, #tpu.memory_space<hbm>> -> memref<512x32xf32, #tpu.memory_space<hbm>>
    tpu.enqueue_indirect_dma source(%dma_start3A_97 : memref<512x32xf32, #tpu.memory_space<hbm>>) target(%dma_start3A_92 : memref<128x32xf32, #tpu.memory_space<vmem>>) offsets(%dma_start3A_94 : memref<128xi32, #tpu.memory_space<vmem>>) semaphore(%arg7 : memref<!tpu.dma_semaphore, #tpu.memory_space<semaphore_mem>>)
    %dma_start3A_98 = arith.constant 1536 : i32
    %dma_start3A_99 = arith.constant 0 : i32
    %dma_start3A_100 = tpu.memref_slice %arg6[%dma_start3A_98, %dma_start3A_99] : memref<2048x32xf32, #tpu.memory_space<vmem>> -> memref<128x32xf32, #tpu.memory_space<vmem>>
    %dma_start3A_101 = arith.constant 1536 : i32
    %dma_start3A_102 = tpu.memref_slice %arg5[%dma_start3A_101] : memref<2048xi32, #tpu.memory_space<vmem>> -> memref<128xi32, #tpu.memory_space<vmem>>
    %dma_start3A_103 = arith.constant 0 : i32
    %dma_start3A_104 = arith.constant 0 : i32
    %dma_start3A_105 = tpu.memref_slice %arg2[%dma_start3A_103, %dma_start3A_104] : memref<512x32xf32, #tpu.memory_space<hbm>> -> memref<512x32xf32, #tpu.memory_space<hbm>>
    tpu.enqueue_indirect_dma source(%dma_start3A_105 : memref<512x32xf32, #tpu.memory_space<hbm>>) target(%dma_start3A_100 : memref<128x32xf32, #tpu.memory_space<vmem>>) offsets(%dma_start3A_102 : memref<128xi32, #tpu.memory_space<vmem>>) semaphore(%arg7 : memref<!tpu.dma_semaphore, #tpu.memory_space<semaphore_mem>>)
    %dma_start3A_106 = arith.constant 1664 : i32
    %dma_start3A_107 = arith.constant 0 : i32
    %dma_start3A_108 = tpu.memref_slice %arg6[%dma_start3A_106, %dma_start3A_107] : memref<2048x32xf32, #tpu.memory_space<vmem>> -> memref<128x32xf32, #tpu.memory_space<vmem>>
    %dma_start3A_109 = arith.constant 1664 : i32
    %dma_start3A_110 = tpu.memref_slice %arg5[%dma_start3A_109] : memref<2048xi32, #tpu.memory_space<vmem>> -> memref<128xi32, #tpu.memory_space<vmem>>
    %dma_start3A_111 = arith.constant 0 : i32
    %dma_start3A_112 = arith.constant 0 : i32
    %dma_start3A_113 = tpu.memref_slice %arg2[%dma_start3A_111, %dma_start3A_112] : memref<512x32xf32, #tpu.memory_space<hbm>> -> memref<512x32xf32, #tpu.memory_space<hbm>>
    tpu.enqueue_indirect_dma source(%dma_start3A_113 : memref<512x32xf32, #tpu.memory_space<hbm>>) target(%dma_start3A_108 : memref<128x32xf32, #tpu.memory_space<vmem>>) offsets(%dma_start3A_110 : memref<128xi32, #tpu.memory_space<vmem>>) semaphore(%arg7 : memref<!tpu.dma_semaphore, #tpu.memory_space<semaphore_mem>>)
    %dma_start3A_114 = arith.constant 1792 : i32
    %dma_start3A_115 = arith.constant 0 : i32
    %dma_start3A_116 = tpu.memref_slice %arg6[%dma_start3A_114, %dma_start3A_115] : memref<2048x32xf32, #tpu.memory_space<vmem>> -> memref<128x32xf32, #tpu.memory_space<vmem>>
    %dma_start3A_117 = arith.constant 1792 : i32
    %dma_start3A_118 = tpu.memref_slice %arg5[%dma_start3A_117] : memref<2048xi32, #tpu.memory_space<vmem>> -> memref<128xi32, #tpu.memory_space<vmem>>
    %dma_start3A_119 = arith.constant 0 : i32
    %dma_start3A_120 = arith.constant 0 : i32
    %dma_start3A_121 = tpu.memref_slice %arg2[%dma_start3A_119, %dma_start3A_120] : memref<512x32xf32, #tpu.memory_space<hbm>> -> memref<512x32xf32, #tpu.memory_space<hbm>>
    tpu.enqueue_indirect_dma source(%dma_start3A_121 : memref<512x32xf32, #tpu.memory_space<hbm>>) target(%dma_start3A_116 : memref<128x32xf32, #tpu.memory_space<vmem>>) offsets(%dma_start3A_118 : memref<128xi32, #tpu.memory_space<vmem>>) semaphore(%arg7 : memref<!tpu.dma_semaphore, #tpu.memory_space<semaphore_mem>>)
    %dma_start3A_122 = arith.constant 1920 : i32
    %dma_start3A_123 = arith.constant 0 : i32
    %dma_start3A_124 = tpu.memref_slice %arg6[%dma_start3A_122, %dma_start3A_123] : memref<2048x32xf32, #tpu.memory_space<vmem>> -> memref<128x32xf32, #tpu.memory_space<vmem>>
    %dma_start3A_125 = arith.constant 1920 : i32
    %dma_start3A_126 = tpu.memref_slice %arg5[%dma_start3A_125] : memref<2048xi32, #tpu.memory_space<vmem>> -> memref<128xi32, #tpu.memory_space<vmem>>
    %dma_start3A_127 = arith.constant 0 : i32
    %dma_start3A_128 = arith.constant 0 : i32
    %dma_start3A_129 = tpu.memref_slice %arg2[%dma_start3A_127, %dma_start3A_128] : memref<512x32xf32, #tpu.memory_space<hbm>> -> memref<512x32xf32, #tpu.memory_space<hbm>>
    tpu.enqueue_indirect_dma source(%dma_start3A_129 : memref<512x32xf32, #tpu.memory_space<hbm>>) target(%dma_start3A_124 : memref<128x32xf32, #tpu.memory_space<vmem>>) offsets(%dma_start3A_126 : memref<128xi32, #tpu.memory_space<vmem>>) semaphore(%arg7 : memref<!tpu.dma_semaphore, #tpu.memory_space<semaphore_mem>>)
    %dma_wait3A = arith.constant 0 : i32
    %dma_wait3A_130 = arith.constant 0 : i32
    %dma_wait3A_131 = tpu.memref_slice %arg6[%dma_wait3A, %dma_wait3A_130] : memref<2048x32xf32, #tpu.memory_space<vmem>> -> memref<128x32xf32, #tpu.memory_space<vmem>>
    %dma_wait3A_132 = arith.constant 0 : i32
    %dma_wait3A_133 = tpu.memref_slice %arg5[%dma_wait3A_132] : memref<2048xi32, #tpu.memory_space<vmem>> -> memref<128xi32, #tpu.memory_space<vmem>>
    %dma_wait3A_134 = arith.constant 0 : i32
    %dma_wait3A_135 = arith.constant 0 : i32
    %dma_wait3A_136 = tpu.memref_slice %arg2[%dma_wait3A_134, %dma_wait3A_135] : memref<512x32xf32, #tpu.memory_space<hbm>> -> memref<512x32xf32, #tpu.memory_space<hbm>>
    tpu.wait_indirect_dma semaphore(%arg7 : memref<!tpu.dma_semaphore, #tpu.memory_space<semaphore_mem>>) src(%dma_wait3A_136 : memref<512x32xf32, #tpu.memory_space<hbm>>) dst(%dma_wait3A_131 : memref<128x32xf32, #tpu.memory_space<vmem>>)
    %dma_wait3A_137 = arith.constant 128 : i32
    %dma_wait3A_138 = arith.constant 0 : i32
    %dma_wait3A_139 = tpu.memref_slice %arg6[%dma_wait3A_137, %dma_wait3A_138] : memref<2048x32xf32, #tpu.memory_space<vmem>> -> memref<128x32xf32, #tpu.memory_space<vmem>>
    %dma_wait3A_140 = arith.constant 128 : i32
    %dma_wait3A_141 = tpu.memref_slice %arg5[%dma_wait3A_140] : memref<2048xi32, #tpu.memory_space<vmem>> -> memref<128xi32, #tpu.memory_space<vmem>>
    %dma_wait3A_142 = arith.constant 0 : i32
    %dma_wait3A_143 = arith.constant 0 : i32
    %dma_wait3A_144 = tpu.memref_slice %arg2[%dma_wait3A_142, %dma_wait3A_143] : memref<512x32xf32, #tpu.memory_space<hbm>> -> memref<512x32xf32, #tpu.memory_space<hbm>>
    tpu.wait_indirect_dma semaphore(%arg7 : memref<!tpu.dma_semaphore, #tpu.memory_space<semaphore_mem>>) src(%dma_wait3A_144 : memref<512x32xf32, #tpu.memory_space<hbm>>) dst(%dma_wait3A_139 : memref<128x32xf32, #tpu.memory_space<vmem>>)
    %dma_wait3A_145 = arith.constant 256 : i32
    %dma_wait3A_146 = arith.constant 0 : i32
    %dma_wait3A_147 = tpu.memref_slice %arg6[%dma_wait3A_145, %dma_wait3A_146] : memref<2048x32xf32, #tpu.memory_space<vmem>> -> memref<128x32xf32, #tpu.memory_space<vmem>>
    %dma_wait3A_148 = arith.constant 256 : i32
    %dma_wait3A_149 = tpu.memref_slice %arg5[%dma_wait3A_148] : memref<2048xi32, #tpu.memory_space<vmem>> -> memref<128xi32, #tpu.memory_space<vmem>>
    %dma_wait3A_150 = arith.constant 0 : i32
    %dma_wait3A_151 = arith.constant 0 : i32
    %dma_wait3A_152 = tpu.memref_slice %arg2[%dma_wait3A_150, %dma_wait3A_151] : memref<512x32xf32, #tpu.memory_space<hbm>> -> memref<512x32xf32, #tpu.memory_space<hbm>>
    tpu.wait_indirect_dma semaphore(%arg7 : memref<!tpu.dma_semaphore, #tpu.memory_space<semaphore_mem>>) src(%dma_wait3A_152 : memref<512x32xf32, #tpu.memory_space<hbm>>) dst(%dma_wait3A_147 : memref<128x32xf32, #tpu.memory_space<vmem>>)
    %dma_wait3A_153 = arith.constant 384 : i32
    %dma_wait3A_154 = arith.constant 0 : i32
    %dma_wait3A_155 = tpu.memref_slice %arg6[%dma_wait3A_153, %dma_wait3A_154] : memref<2048x32xf32, #tpu.memory_space<vmem>> -> memref<128x32xf32, #tpu.memory_space<vmem>>
    %dma_wait3A_156 = arith.constant 384 : i32
    %dma_wait3A_157 = tpu.memref_slice %arg5[%dma_wait3A_156] : memref<2048xi32, #tpu.memory_space<vmem>> -> memref<128xi32, #tpu.memory_space<vmem>>
    %dma_wait3A_158 = arith.constant 0 : i32
    %dma_wait3A_159 = arith.constant 0 : i32
    %dma_wait3A_160 = tpu.memref_slice %arg2[%dma_wait3A_158, %dma_wait3A_159] : memref<512x32xf32, #tpu.memory_space<hbm>> -> memref<512x32xf32, #tpu.memory_space<hbm>>
    tpu.wait_indirect_dma semaphore(%arg7 : memref<!tpu.dma_semaphore, #tpu.memory_space<semaphore_mem>>) src(%dma_wait3A_160 : memref<512x32xf32, #tpu.memory_space<hbm>>) dst(%dma_wait3A_155 : memref<128x32xf32, #tpu.memory_space<vmem>>)
    %dma_wait3A_161 = arith.constant 512 : i32
    %dma_wait3A_162 = arith.constant 0 : i32
    %dma_wait3A_163 = tpu.memref_slice %arg6[%dma_wait3A_161, %dma_wait3A_162] : memref<2048x32xf32, #tpu.memory_space<vmem>> -> memref<128x32xf32, #tpu.memory_space<vmem>>
    %dma_wait3A_164 = arith.constant 512 : i32
    %dma_wait3A_165 = tpu.memref_slice %arg5[%dma_wait3A_164] : memref<2048xi32, #tpu.memory_space<vmem>> -> memref<128xi32, #tpu.memory_space<vmem>>
    %dma_wait3A_166 = arith.constant 0 : i32
    %dma_wait3A_167 = arith.constant 0 : i32
    %dma_wait3A_168 = tpu.memref_slice %arg2[%dma_wait3A_166, %dma_wait3A_167] : memref<512x32xf32, #tpu.memory_space<hbm>> -> memref<512x32xf32, #tpu.memory_space<hbm>>
    tpu.wait_indirect_dma semaphore(%arg7 : memref<!tpu.dma_semaphore, #tpu.memory_space<semaphore_mem>>) src(%dma_wait3A_168 : memref<512x32xf32, #tpu.memory_space<hbm>>) dst(%dma_wait3A_163 : memref<128x32xf32, #tpu.memory_space<vmem>>)
    %dma_wait3A_169 = arith.constant 640 : i32
    %dma_wait3A_170 = arith.constant 0 : i32
    %dma_wait3A_171 = tpu.memref_slice %arg6[%dma_wait3A_169, %dma_wait3A_170] : memref<2048x32xf32, #tpu.memory_space<vmem>> -> memref<128x32xf32, #tpu.memory_space<vmem>>
    %dma_wait3A_172 = arith.constant 640 : i32
    %dma_wait3A_173 = tpu.memref_slice %arg5[%dma_wait3A_172] : memref<2048xi32, #tpu.memory_space<vmem>> -> memref<128xi32, #tpu.memory_space<vmem>>
    %dma_wait3A_174 = arith.constant 0 : i32
    %dma_wait3A_175 = arith.constant 0 : i32
    %dma_wait3A_176 = tpu.memref_slice %arg2[%dma_wait3A_174, %dma_wait3A_175] : memref<512x32xf32, #tpu.memory_space<hbm>> -> memref<512x32xf32, #tpu.memory_space<hbm>>
    tpu.wait_indirect_dma semaphore(%arg7 : memref<!tpu.dma_semaphore, #tpu.memory_space<semaphore_mem>>) src(%dma_wait3A_176 : memref<512x32xf32, #tpu.memory_space<hbm>>) dst(%dma_wait3A_171 : memref<128x32xf32, #tpu.memory_space<vmem>>)
    %dma_wait3A_177 = arith.constant 768 : i32
    %dma_wait3A_178 = arith.constant 0 : i32
    %dma_wait3A_179 = tpu.memref_slice %arg6[%dma_wait3A_177, %dma_wait3A_178] : memref<2048x32xf32, #tpu.memory_space<vmem>> -> memref<128x32xf32, #tpu.memory_space<vmem>>
    %dma_wait3A_180 = arith.constant 768 : i32
    %dma_wait3A_181 = tpu.memref_slice %arg5[%dma_wait3A_180] : memref<2048xi32, #tpu.memory_space<vmem>> -> memref<128xi32, #tpu.memory_space<vmem>>
    %dma_wait3A_182 = arith.constant 0 : i32
    %dma_wait3A_183 = arith.constant 0 : i32
    %dma_wait3A_184 = tpu.memref_slice %arg2[%dma_wait3A_182, %dma_wait3A_183] : memref<512x32xf32, #tpu.memory_space<hbm>> -> memref<512x32xf32, #tpu.memory_space<hbm>>
    tpu.wait_indirect_dma semaphore(%arg7 : memref<!tpu.dma_semaphore, #tpu.memory_space<semaphore_mem>>) src(%dma_wait3A_184 : memref<512x32xf32, #tpu.memory_space<hbm>>) dst(%dma_wait3A_179 : memref<128x32xf32, #tpu.memory_space<vmem>>)
    %dma_wait3A_185 = arith.constant 896 : i32
    %dma_wait3A_186 = arith.constant 0 : i32
    %dma_wait3A_187 = tpu.memref_slice %arg6[%dma_wait3A_185, %dma_wait3A_186] : memref<2048x32xf32, #tpu.memory_space<vmem>> -> memref<128x32xf32, #tpu.memory_space<vmem>>
    %dma_wait3A_188 = arith.constant 896 : i32
    %dma_wait3A_189 = tpu.memref_slice %arg5[%dma_wait3A_188] : memref<2048xi32, #tpu.memory_space<vmem>> -> memref<128xi32, #tpu.memory_space<vmem>>
    %dma_wait3A_190 = arith.constant 0 : i32
    %dma_wait3A_191 = arith.constant 0 : i32
    %dma_wait3A_192 = tpu.memref_slice %arg2[%dma_wait3A_190, %dma_wait3A_191] : memref<512x32xf32, #tpu.memory_space<hbm>> -> memref<512x32xf32, #tpu.memory_space<hbm>>
    tpu.wait_indirect_dma semaphore(%arg7 : memref<!tpu.dma_semaphore, #tpu.memory_space<semaphore_mem>>) src(%dma_wait3A_192 : memref<512x32xf32, #tpu.memory_space<hbm>>) dst(%dma_wait3A_187 : memref<128x32xf32, #tpu.memory_space<vmem>>)
    %dma_wait3A_193 = arith.constant 1024 : i32
    %dma_wait3A_194 = arith.constant 0 : i32
    %dma_wait3A_195 = tpu.memref_slice %arg6[%dma_wait3A_193, %dma_wait3A_194] : memref<2048x32xf32, #tpu.memory_space<vmem>> -> memref<128x32xf32, #tpu.memory_space<vmem>>
    %dma_wait3A_196 = arith.constant 1024 : i32
    %dma_wait3A_197 = tpu.memref_slice %arg5[%dma_wait3A_196] : memref<2048xi32, #tpu.memory_space<vmem>> -> memref<128xi32, #tpu.memory_space<vmem>>
    %dma_wait3A_198 = arith.constant 0 : i32
    %dma_wait3A_199 = arith.constant 0 : i32
    %dma_wait3A_200 = tpu.memref_slice %arg2[%dma_wait3A_198, %dma_wait3A_199] : memref<512x32xf32, #tpu.memory_space<hbm>> -> memref<512x32xf32, #tpu.memory_space<hbm>>
    tpu.wait_indirect_dma semaphore(%arg7 : memref<!tpu.dma_semaphore, #tpu.memory_space<semaphore_mem>>) src(%dma_wait3A_200 : memref<512x32xf32, #tpu.memory_space<hbm>>) dst(%dma_wait3A_195 : memref<128x32xf32, #tpu.memory_space<vmem>>)
    %dma_wait3A_201 = arith.constant 1152 : i32
    %dma_wait3A_202 = arith.constant 0 : i32
    %dma_wait3A_203 = tpu.memref_slice %arg6[%dma_wait3A_201, %dma_wait3A_202] : memref<2048x32xf32, #tpu.memory_space<vmem>> -> memref<128x32xf32, #tpu.memory_space<vmem>>
    %dma_wait3A_204 = arith.constant 1152 : i32
    %dma_wait3A_205 = tpu.memref_slice %arg5[%dma_wait3A_204] : memref<2048xi32, #tpu.memory_space<vmem>> -> memref<128xi32, #tpu.memory_space<vmem>>
    %dma_wait3A_206 = arith.constant 0 : i32
    %dma_wait3A_207 = arith.constant 0 : i32
    %dma_wait3A_208 = tpu.memref_slice %arg2[%dma_wait3A_206, %dma_wait3A_207] : memref<512x32xf32, #tpu.memory_space<hbm>> -> memref<512x32xf32, #tpu.memory_space<hbm>>
    tpu.wait_indirect_dma semaphore(%arg7 : memref<!tpu.dma_semaphore, #tpu.memory_space<semaphore_mem>>) src(%dma_wait3A_208 : memref<512x32xf32, #tpu.memory_space<hbm>>) dst(%dma_wait3A_203 : memref<128x32xf32, #tpu.memory_space<vmem>>)
    %dma_wait3A_209 = arith.constant 1280 : i32
    %dma_wait3A_210 = arith.constant 0 : i32
    %dma_wait3A_211 = tpu.memref_slice %arg6[%dma_wait3A_209, %dma_wait3A_210] : memref<2048x32xf32, #tpu.memory_space<vmem>> -> memref<128x32xf32, #tpu.memory_space<vmem>>
    %dma_wait3A_212 = arith.constant 1280 : i32
    %dma_wait3A_213 = tpu.memref_slice %arg5[%dma_wait3A_212] : memref<2048xi32, #tpu.memory_space<vmem>> -> memref<128xi32, #tpu.memory_space<vmem>>
    %dma_wait3A_214 = arith.constant 0 : i32
    %dma_wait3A_215 = arith.constant 0 : i32
    %dma_wait3A_216 = tpu.memref_slice %arg2[%dma_wait3A_214, %dma_wait3A_215] : memref<512x32xf32, #tpu.memory_space<hbm>> -> memref<512x32xf32, #tpu.memory_space<hbm>>
    tpu.wait_indirect_dma semaphore(%arg7 : memref<!tpu.dma_semaphore, #tpu.memory_space<semaphore_mem>>) src(%dma_wait3A_216 : memref<512x32xf32, #tpu.memory_space<hbm>>) dst(%dma_wait3A_211 : memref<128x32xf32, #tpu.memory_space<vmem>>)
    %dma_wait3A_217 = arith.constant 1408 : i32
    %dma_wait3A_218 = arith.constant 0 : i32
    %dma_wait3A_219 = tpu.memref_slice %arg6[%dma_wait3A_217, %dma_wait3A_218] : memref<2048x32xf32, #tpu.memory_space<vmem>> -> memref<128x32xf32, #tpu.memory_space<vmem>>
    %dma_wait3A_220 = arith.constant 1408 : i32
    %dma_wait3A_221 = tpu.memref_slice %arg5[%dma_wait3A_220] : memref<2048xi32, #tpu.memory_space<vmem>> -> memref<128xi32, #tpu.memory_space<vmem>>
    %dma_wait3A_222 = arith.constant 0 : i32
    %dma_wait3A_223 = arith.constant 0 : i32
    %dma_wait3A_224 = tpu.memref_slice %arg2[%dma_wait3A_222, %dma_wait3A_223] : memref<512x32xf32, #tpu.memory_space<hbm>> -> memref<512x32xf32, #tpu.memory_space<hbm>>
    tpu.wait_indirect_dma semaphore(%arg7 : memref<!tpu.dma_semaphore, #tpu.memory_space<semaphore_mem>>) src(%dma_wait3A_224 : memref<512x32xf32, #tpu.memory_space<hbm>>) dst(%dma_wait3A_219 : memref<128x32xf32, #tpu.memory_space<vmem>>)
    %dma_wait3A_225 = arith.constant 1536 : i32
    %dma_wait3A_226 = arith.constant 0 : i32
    %dma_wait3A_227 = tpu.memref_slice %arg6[%dma_wait3A_225, %dma_wait3A_226] : memref<2048x32xf32, #tpu.memory_space<vmem>> -> memref<128x32xf32, #tpu.memory_space<vmem>>
    %dma_wait3A_228 = arith.constant 1536 : i32
    %dma_wait3A_229 = tpu.memref_slice %arg5[%dma_wait3A_228] : memref<2048xi32, #tpu.memory_space<vmem>> -> memref<128xi32, #tpu.memory_space<vmem>>
    %dma_wait3A_230 = arith.constant 0 : i32
    %dma_wait3A_231 = arith.constant 0 : i32
    %dma_wait3A_232 = tpu.memref_slice %arg2[%dma_wait3A_230, %dma_wait3A_231] : memref<512x32xf32, #tpu.memory_space<hbm>> -> memref<512x32xf32, #tpu.memory_space<hbm>>
    tpu.wait_indirect_dma semaphore(%arg7 : memref<!tpu.dma_semaphore, #tpu.memory_space<semaphore_mem>>) src(%dma_wait3A_232 : memref<512x32xf32, #tpu.memory_space<hbm>>) dst(%dma_wait3A_227 : memref<128x32xf32, #tpu.memory_space<vmem>>)
    %dma_wait3A_233 = arith.constant 1664 : i32
    %dma_wait3A_234 = arith.constant 0 : i32
    %dma_wait3A_235 = tpu.memref_slice %arg6[%dma_wait3A_233, %dma_wait3A_234] : memref<2048x32xf32, #tpu.memory_space<vmem>> -> memref<128x32xf32, #tpu.memory_space<vmem>>
    %dma_wait3A_236 = arith.constant 1664 : i32
    %dma_wait3A_237 = tpu.memref_slice %arg5[%dma_wait3A_236] : memref<2048xi32, #tpu.memory_space<vmem>> -> memref<128xi32, #tpu.memory_space<vmem>>
    %dma_wait3A_238 = arith.constant 0 : i32
    %dma_wait3A_239 = arith.constant 0 : i32
    %dma_wait3A_240 = tpu.memref_slice %arg2[%dma_wait3A_238, %dma_wait3A_239] : memref<512x32xf32, #tpu.memory_space<hbm>> -> memref<512x32xf32, #tpu.memory_space<hbm>>
    tpu.wait_indirect_dma semaphore(%arg7 : memref<!tpu.dma_semaphore, #tpu.memory_space<semaphore_mem>>) src(%dma_wait3A_240 : memref<512x32xf32, #tpu.memory_space<hbm>>) dst(%dma_wait3A_235 : memref<128x32xf32, #tpu.memory_space<vmem>>)
    %dma_wait3A_241 = arith.constant 1792 : i32
    %dma_wait3A_242 = arith.constant 0 : i32
    %dma_wait3A_243 = tpu.memref_slice %arg6[%dma_wait3A_241, %dma_wait3A_242] : memref<2048x32xf32, #tpu.memory_space<vmem>> -> memref<128x32xf32, #tpu.memory_space<vmem>>
    %dma_wait3A_244 = arith.constant 1792 : i32
    %dma_wait3A_245 = tpu.memref_slice %arg5[%dma_wait3A_244] : memref<2048xi32, #tpu.memory_space<vmem>> -> memref<128xi32, #tpu.memory_space<vmem>>
    %dma_wait3A_246 = arith.constant 0 : i32
    %dma_wait3A_247 = arith.constant 0 : i32
    %dma_wait3A_248 = tpu.memref_slice %arg2[%dma_wait3A_246, %dma_wait3A_247] : memref<512x32xf32, #tpu.memory_space<hbm>> -> memref<512x32xf32, #tpu.memory_space<hbm>>
    tpu.wait_indirect_dma semaphore(%arg7 : memref<!tpu.dma_semaphore, #tpu.memory_space<semaphore_mem>>) src(%dma_wait3A_248 : memref<512x32xf32, #tpu.memory_space<hbm>>) dst(%dma_wait3A_243 : memref<128x32xf32, #tpu.memory_space<vmem>>)
    %dma_wait3A_249 = arith.constant 1920 : i32
    %dma_wait3A_250 = arith.constant 0 : i32
    %dma_wait3A_251 = tpu.memref_slice %arg6[%dma_wait3A_249, %dma_wait3A_250] : memref<2048x32xf32, #tpu.memory_space<vmem>> -> memref<128x32xf32, #tpu.memory_space<vmem>>
    %dma_wait3A_252 = arith.constant 1920 : i32
    %dma_wait3A_253 = tpu.memref_slice %arg5[%dma_wait3A_252] : memref<2048xi32, #tpu.memory_space<vmem>> -> memref<128xi32, #tpu.memory_space<vmem>>
    %dma_wait3A_254 = arith.constant 0 : i32
    %dma_wait3A_255 = arith.constant 0 : i32
    %dma_wait3A_256 = tpu.memref_slice %arg2[%dma_wait3A_254, %dma_wait3A_255] : memref<512x32xf32, #tpu.memory_space<hbm>> -> memref<512x32xf32, #tpu.memory_space<hbm>>
    tpu.wait_indirect_dma semaphore(%arg7 : memref<!tpu.dma_semaphore, #tpu.memory_space<semaphore_mem>>) src(%dma_wait3A_256 : memref<512x32xf32, #tpu.memory_space<hbm>>) dst(%dma_wait3A_251 : memref<128x32xf32, #tpu.memory_space<vmem>>)
    "tpu.region"() ({
      %run_scoped3A = tpu.sem_alloc : memref<!tpu.dma_semaphore, #tpu.memory_space<semaphore_mem>>
      %dma_start3A_257 = arith.constant 0 : i32
      %dma_start3A_258 = tpu.memref_slice %arg4[%mul3A_2, %dma_start3A_257] : memref<65536x32xf32, #tpu.memory_space<hbm>> -> memref<2048x32xf32, #tpu.memory_space<hbm>>
      %dma_start3A_259 = arith.constant 0 : i32
      %dma_start3A_260 = tpu.memref_slice %arg4[%mul3A_2, %dma_start3A_259] : memref<65536x32xf32, #tpu.memory_space<hbm>> -> memref<2048x32xf32, #tpu.memory_space<hbm>>
      tpu.enqueue_dma source(%arg6 : memref<2048x32xf32, #tpu.memory_space<vmem>>) target(%dma_start3A_260 : memref<2048x32xf32, #tpu.memory_space<hbm>>) target_semaphore(%run_scoped3A : memref<!tpu.dma_semaphore, #tpu.memory_space<semaphore_mem>>)
      %dma_wait3A_261 = arith.constant 0 : i32
      %dma_wait3A_262 = tpu.memref_slice %arg4[%mul3A_2, %dma_wait3A_261] : memref<65536x32xf32, #tpu.memory_space<hbm>> -> memref<2048x32xf32, #tpu.memory_space<hbm>>
      %dma_wait3A_263 = arith.constant 0 : i32
      %dma_wait3A_264 = tpu.memref_slice %arg4[%mul3A_2, %dma_wait3A_263] : memref<65536x32xf32, #tpu.memory_space<hbm>> -> memref<2048x32xf32, #tpu.memory_space<hbm>>
      tpu.wait_dma2 semaphore(%run_scoped3A : memref<!tpu.dma_semaphore, #tpu.memory_space<semaphore_mem>>) src(%arg6 : memref<2048x32xf32, #tpu.memory_space<vmem>>) dst(%dma_wait3A_264 : memref<2048x32xf32, #tpu.memory_space<hbm>>)
      tpu.yield
    }) : () -> ()
    return
  }
}

module attributes {stable_mosaic.version = 14 : i64} {
  func.func @_tc_body(%arg0: i32, %arg1: memref<16384x32xf32, #tpu.memory_space<vmem>>, %arg2: memref<512x32xf32, #tpu.memory_space<vmem>>, %arg3: memref<1x1x16384xi32, #tpu.memory_space<vmem>>, %arg4: memref<1x128xf32, #tpu.memory_space<vmem>>, %arg5: memref<512x1xi32, #tpu.memory_space<vmem>>, %arg6: memref<512x1xf32, #tpu.memory_space<vmem>>) attributes {dimension_semantics = [#tpu.dimension_semantics<arbitrary>], iteration_bounds = array<i64: 4>, scalar_prefetch = 0 : i64, scratch_operands = 2 : i64, tpu.core_type = #tpu.core_type<tc>, window_params = [{transform_indices = @transform_0, window_bounds = array<i64: 16384, 32>}, {pipeline_mode = #tpu.pipeline_mode<synchronous>, transform_indices = @transform_1, window_bounds = array<i64: 512, 32>}, {transform_indices = @transform_2, window_bounds = array<i64: 1, 1, 16384>}, {pipeline_mode = #tpu.pipeline_mode<synchronous>, transform_indices = @transform_3, window_bounds = array<i64: 1, 128>}]} {
    %eq3A = arith.constant 0 : i32
    %eq3A_0 = arith.cmpi eq, %arg0, %eq3A : i32
    %convert_element_type3A = arith.extui %eq3A_0 : i1 to i32
    %cond3A = arith.constant 0 : i32
    %cond3A_1 = arith.cmpi ne, %convert_element_type3A, %cond3A : i32
    scf.if %cond3A_1 {
      %broadcast_in_dim3A_47 = arith.constant 0 : i32
      %broadcast_in_dim3A_48 = vector.broadcast %broadcast_in_dim3A_47 : i32 to vector<512x1xi32>
      %swap3A_49 = arith.constant 0 : index
      %swap3A_50 = arith.constant 0 : index
      %swap3A_51 = vector.load %arg5[%swap3A_49, %swap3A_50] : memref<512x1xi32, #tpu.memory_space<vmem>>, vector<512x1xi32>
      tpu.vector_store %arg5[%swap3A_49, %swap3A_50], %broadcast_in_dim3A_48 {strides = array<i32>} : memref<512x1xi32, #tpu.memory_space<vmem>>, vector<512x1xi32>,
      %get3A_52 = arith.constant 0 : index
      %get3A_53 = arith.constant 0 : index
      %get3A_54 = vector.load %arg2[%get3A_52, %get3A_53] : memref<512x32xf32, #tpu.memory_space<vmem>>, vector<512x32xf32>
      %mul3A = arith.mulf %get3A_54, %get3A_54 : vector<512x32xf32>
      %reduce_sum3A_55 = arith.constant dense<0.000000e+00> : vector<512xf32>
      %reduce_sum3A_56 = vector.multi_reduction <add>, %mul3A, %reduce_sum3A_55 [1] : vector<512x32xf32> to vector<512xf32>
      %broadcast_in_dim3A_57 = vector.shape_cast %reduce_sum3A_56 : vector<512xf32> to vector<512x1xf32>
      %mul3A_58 = arith.constant 5.000000e-01 : f32
      %mul3A_59 = vector.broadcast %mul3A_58 : f32 to vector<512x1xf32>
      %mul3A_60 = arith.mulf %mul3A_59, %broadcast_in_dim3A_57 : vector<512x1xf32>
      %swap3A_61 = arith.constant 0 : index
      %swap3A_62 = arith.constant 0 : index
      %swap3A_63 = vector.load %arg6[%swap3A_61, %swap3A_62] : memref<512x1xf32, #tpu.memory_space<vmem>>, vector<512x1xf32>
      tpu.vector_store %arg6[%swap3A_61, %swap3A_62], %mul3A_60 {strides = array<i32>} : memref<512x1xf32, #tpu.memory_space<vmem>>, vector<512x1xf32>,
    } else {
    }
    %get3A = arith.constant 0 : index
    %get3A_2 = arith.constant 0 : index
    %get3A_3 = vector.load %arg1[%get3A, %get3A_2] : memref<16384x32xf32, #tpu.memory_space<vmem>>, vector<16384x32xf32>
    %get3A_4 = arith.constant 0 : index
    %get3A_5 = arith.constant 0 : index
    %get3A_6 = vector.load %arg2[%get3A_4, %get3A_5] : memref<512x32xf32, #tpu.memory_space<vmem>>, vector<512x32xf32>
    %dot_general3A = arith.constant dense<0.000000e+00> : vector<512x16384xf32>
    %dot_general3A_7 = tpu.matmul %get3A_6, %get3A_3, %dot_general3A {dimension_numbers = #tpu.dot_dimension_numbers<[1], [1], [0], [0], [0, 0, 1, 0], [], []>, transpose_lhs_hint = false} : vector<512x32xf32>, vector<16384x32xf32>, vector<512x16384xf32> -> vector<512x16384xf32>
    %get3A_8 = arith.constant 0 : index
    %get3A_9 = arith.constant 0 : index
    %get3A_10 = vector.load %arg6[%get3A_8, %get3A_9] : memref<512x1xf32, #tpu.memory_space<vmem>>, vector<512x1xf32>
    %sub3A = vector.broadcast %get3A_10 : vector<512x1xf32> to vector<512x16384xf32>
    %sub3A_11 = arith.subf %dot_general3A_7, %sub3A : vector<512x16384xf32>
    %reduce_max3A = arith.constant dense<0xFF800000> : vector<16384xf32>
    %reduce_max3A_12 = vector.multi_reduction <maximumf>, %sub3A_11, %reduce_max3A [0] : vector<512x16384xf32> to vector<16384xf32>
    %broadcast_in_dim3A = vector.shape_cast %reduce_max3A_12 : vector<16384xf32> to vector<1x16384xf32>
    %ge3A = vector.broadcast %broadcast_in_dim3A : vector<1x16384xf32> to vector<512x16384xf32>
    %ge3A_13 = arith.cmpf oge, %sub3A_11, %ge3A : vector<512x16384xf32>
    %iota3A = tpu.iota {dimensions = array<i32: 0>} : vector<512x16384xi32>
    %sub3A_14 = arith.constant 511 : i32
    %sub3A_15 = vector.broadcast %sub3A_14 : i32 to vector<512x16384xi32>
    %sub3A_16 = arith.subi %sub3A_15, %iota3A : vector<512x16384xi32>
    %jit3A = arith.constant 0 : i32
    %broadcast_in_dim3A_17 = vector.broadcast %jit3A : i32 to vector<512x16384xi32>
    %select_n3A = arith.select %ge3A_13, %sub3A_16, %broadcast_in_dim3A_17 : vector<512x16384xi1>, vector<512x16384xi32>
    %reduce_max3A_18 = arith.constant dense<-2147483648> : vector<16384xi32>
    %reduce_max3A_19 = vector.multi_reduction <maxsi>, %select_n3A, %reduce_max3A_18 [0] : vector<512x16384xi32> to vector<16384xi32>
    %broadcast_in_dim3A_20 = vector.shape_cast %reduce_max3A_19 : vector<16384xi32> to vector<1x16384xi32>
    %squeeze3A = vector.shape_cast %broadcast_in_dim3A_20 : vector<1x16384xi32> to vector<16384xi32>
    %sub3A_21 = arith.constant 511 : i32
    %sub3A_22 = vector.broadcast %sub3A_21 : i32 to vector<16384xi32>
    %sub3A_23 = arith.subi %sub3A_22, %squeeze3A : vector<16384xi32>
    %swap3A = arith.constant 0 : index
    %swap3A_24 = arith.constant 0 : index
    %swap3A_25 = arith.constant 0 : index
    %swap3A_26 = vector.load %arg3[%swap3A, %swap3A_24, %swap3A_25] : memref<1x1x16384xi32, #tpu.memory_space<vmem>>, vector<1x1x16384xi32>
    %swap3A_27 = vector.shape_cast %swap3A_26 : vector<1x1x16384xi32> to vector<16384xi32>
    %swap3A_28 = vector.shape_cast %sub3A_23 : vector<16384xi32> to vector<1x1x16384xi32>
    tpu.vector_store %arg3[%swap3A, %swap3A_24, %swap3A_25], %swap3A_28 {strides = array<i32>} : memref<1x1x16384xi32, #tpu.memory_space<vmem>>, vector<1x1x16384xi32>,
    %get3A_29 = arith.constant 0 : index
    %get3A_30 = arith.constant 0 : index
    %get3A_31 = vector.load %arg5[%get3A_29, %get3A_30] : memref<512x1xi32, #tpu.memory_space<vmem>>, vector<512x1xi32>
    %jit3A_32 = arith.constant 1 : i32
    %jit3A_33 = arith.constant 0 : i32
    %broadcast_in_dim3A_34 = vector.broadcast %jit3A_32 : i32 to vector<512x16384xi32>
    %broadcast_in_dim3A_35 = vector.broadcast %jit3A_33 : i32 to vector<512x16384xi32>
    %select_n3A_36 = arith.select %ge3A_13, %broadcast_in_dim3A_34, %broadcast_in_dim3A_35 : vector<512x16384xi1>, vector<512x16384xi32>
    %reduce_sum3A = arith.constant dense<0> : vector<512xi32>
    %reduce_sum3A_37 = vector.multi_reduction <add>, %select_n3A_36, %reduce_sum3A [1] : vector<512x16384xi32> to vector<512xi32>
    %broadcast_in_dim3A_38 = vector.shape_cast %reduce_sum3A_37 : vector<512xi32> to vector<512x1xi32>
    %add3A = arith.addi %get3A_31, %broadcast_in_dim3A_38 : vector<512x1xi32>
    %swap3A_39 = arith.constant 0 : index
    %swap3A_40 = arith.constant 0 : index
    %swap3A_41 = vector.load %arg5[%swap3A_39, %swap3A_40] : memref<512x1xi32, #tpu.memory_space<vmem>>, vector<512x1xi32>
    tpu.vector_store %arg5[%swap3A_39, %swap3A_40], %add3A {strides = array<i32>} : memref<512x1xi32, #tpu.memory_space<vmem>>, vector<512x1xi32>,
    %eq3A_42 = arith.constant 3 : i32
    %eq3A_43 = arith.cmpi eq, %arg0, %eq3A_42 : i32
    %convert_element_type3A_44 = arith.extui %eq3A_43 : i1 to i32
    %cond3A_45 = arith.constant 0 : i32
    %cond3A_46 = arith.cmpi ne, %convert_element_type3A_44, %cond3A_45 : i32
    scf.if %cond3A_46 {
      %get3A_47 = arith.constant 0 : index
      %get3A_48 = arith.constant 0 : index
      %get3A_49 = vector.load %arg5[%get3A_47, %get3A_48] : memref<512x1xi32, #tpu.memory_space<vmem>>, vector<512x1xi32>
      %convert_element_type3A_50 = arith.sitofp %get3A_49 : vector<512x1xi32> to vector<512x1xf32>
      %mul3A = arith.constant 1.52587891E-5 : f32
      %mul3A_51 = vector.broadcast %mul3A : f32 to vector<512x1xf32>
      %mul3A_52 = arith.mulf %convert_element_type3A_50, %mul3A_51 : vector<512x1xf32>
      %add3A_53 = arith.constant 1.000000e-10 : f32
      %add3A_54 = vector.broadcast %add3A_53 : f32 to vector<512x1xf32>
      %add3A_55 = arith.addf %mul3A_52, %add3A_54 : vector<512x1xf32>
      %log3A = math.log %add3A_55 : vector<512x1xf32>
      %mul3A_56 = arith.mulf %mul3A_52, %log3A : vector<512x1xf32>
      %reduce_sum3A_57 = vector.shape_cast %mul3A_56 : vector<512x1xf32> to vector<1x512x1xf32>
      %reduce_sum3A_58 = arith.constant dense<0.000000e+00> : vector<1xf32>
      %reduce_sum3A_59 = vector.multi_reduction <add>, %reduce_sum3A_57, %reduce_sum3A_58 [1, 2] : vector<1x512x1xf32> to vector<1xf32>
      %reduce_sum3A_60 = vector.shape_cast %reduce_sum3A_59 : vector<1xf32> to vector<1x1x1xf32>
      %reduce_sum3A_61 = vector.extract %reduce_sum3A_60[0, 0, 0] : f32 from vector<1x1x1xf32>
      %neg3A = arith.constant 0.000000e+00 : f32
      %neg3A_62 = arith.subf %neg3A, %reduce_sum3A_61 : f32
      %exp3A = math.exp %neg3A_62 : f32
      %log3A_63 = arith.constant 5.120000e+02 : f32
      %log3A_64 = math.log %log3A_63 : f32
      %div3A = arith.divf %neg3A_62, %log3A_64 : f32
      %sub3A_65 = arith.constant 1.000000e+00 : f32
      %sub3A_66 = arith.subf %sub3A_65, %div3A : f32
      %iota3A_67 = tpu.iota {dimensions = array<i32: 1>} : vector<1x128xi32>
      %eq3A_68 = arith.constant 0 : i32
      %eq3A_69 = vector.broadcast %eq3A_68 : i32 to vector<1x128xi32>
      %eq3A_70 = arith.cmpi eq, %iota3A_67, %eq3A_69 : vector<1x128xi32>
      %eq3A_71 = arith.constant 1 : i32
      %eq3A_72 = vector.broadcast %eq3A_71 : i32 to vector<1x128xi32>
      %eq3A_73 = arith.cmpi eq, %iota3A_67, %eq3A_72 : vector<1x128xi32>
      %jit3A_74 = arith.constant 0.000000e+00 : f32
      %broadcast_in_dim3A_75 = vector.broadcast %sub3A_66 : f32 to vector<1x128xf32>
      %broadcast_in_dim3A_76 = vector.broadcast %jit3A_74 : f32 to vector<1x128xf32>
      %select_n3A_77 = arith.select %eq3A_73, %broadcast_in_dim3A_75, %broadcast_in_dim3A_76 : vector<1x128xi1>, vector<1x128xf32>
      %broadcast_in_dim3A_78 = vector.broadcast %exp3A : f32 to vector<1x128xf32>
      %select_n3A_79 = arith.select %eq3A_70, %broadcast_in_dim3A_78, %select_n3A_77 : vector<1x128xi1>, vector<1x128xf32>
      %swap3A_80 = arith.constant 0 : index
      %swap3A_81 = arith.constant 0 : index
      %swap3A_82 = vector.load %arg4[%swap3A_80, %swap3A_81] : memref<1x128xf32, #tpu.memory_space<vmem>>, vector<1x128xf32>
      tpu.vector_store %arg4[%swap3A_80, %swap3A_81], %select_n3A_79 {strides = array<i32>} : memref<1x128xf32, #tpu.memory_space<vmem>>, vector<1x128xf32>,
    } else {
    }
    return
  }
  func.func @transform_0(%arg0: i32) -> (i32, i32) {
    %c0_i32 = arith.constant 0 : i32
    %c0_i32_0 = arith.constant 0 : i32
    return %arg0, %c0_i32 : i32, i32
  }
  func.func @transform_1(%arg0: i32) -> (i32, i32) {
    %c0_i32 = arith.constant 0 : i32
    %c0_i32_0 = arith.constant 0 : i32
    %c0_i32_1 = arith.constant 0 : i32
    return %c0_i32, %c0_i32_0 : i32, i32
  }
  func.func @transform_2(%arg0: i32) -> (i32, i32, i32) {
    %c0_i32 = arith.constant 0 : i32
    %c0_i32_0 = arith.constant 0 : i32
    %c0_i32_1 = arith.constant 0 : i32
    return %arg0, %c0_i32, %c0_i32_0 : i32, i32, i32
  }
  func.func @transform_3(%arg0: i32) -> (i32, i32) {
    %c0_i32 = arith.constant 0 : i32
    %c0_i32_0 = arith.constant 0 : i32
    %c0_i32_1 = arith.constant 0 : i32
    return %c0_i32, %c0_i32_0 : i32, i32
  }
}

</mosaic_0001>

<sc_bundles>
// kernel: kernel.4.cloned.1.call-start
scs
__scs_entry_jumppad:
0x0: {  	(pc) =	sbr.rel $0x88, $3  }
0x1: {  	(tag) =	ssettag $0x0;
	lr =	simm.s32 $0x1  }
0x2: {  	[smem:$0x3F9F] =	sst lr;
	_ =	strace $0xD0000000  }
0x3: {  	_ = 	snop  }
0x4: {  	_ = 	snop  }
0x5: {  	_ = 	snop  }
0x6: {  	_ = 	snop  }
0x7: {  	_ = 	snop  }
__scs_overlays_trampoline_lowered:
0x8: {  	[smem:$0x3FAE] =	sst s0  }
0x9: {  	[smem:$0x3FAF] =	sst s1  }
0xa: {  	[smem:$0x3FB0] =	sst s2  }
0xb: {  	[smem:$0x3FB1] =	sst s3  }
0xc: {  	[smem:$0x3FB2] =	sst s4  }
0xd: {  	[smem:$0x3FB3] =	sst s5  }
0xe: {  	[smem:$0x3FB4] =	sst s6  }
0xf: {  	[smem:$0x3FB5] =	sst s7  }
0x10: {  	[smem:$0x3FB6] =	sst s8  }
0x11: {  	[smem:$0x3FB7] =	sst s9;
	s0 =	simm.s32 @!p0 $0x0  }
0x12: {  	s1 =	sld [smem:$0x3F9D];
	s0 =	simm.s32 @p0 $0x1  }
0x13: {  	[smem:$0x3FB8] =	sst s0;
	s0 =	simm.s32 @!p1 $0x0  }
0x14: {  	s2 =	sld [smem:$0x3F9C];
	s0 =	simm.s32 @p1 $0x1  }
0x15: {  	[smem:$0x3FB9] =	sst s0;
	s0 =	simm.s32 @!p2 $0x0  }
0x16: {  	s3 =	sld [smem:$0x3FDB];
	s0 =	simm.s32 @p2 $0x1  }
0x17: {  	s4 =	simm.s32 $0x1BF5;
	[smem:$0x3FBB] =	sst s0  }
0x18: {  	s0 =	sld [smem:$0x3F9E];
	_ =	swait.ge [sflag:s4], $0x0  }
0x19: {  	s7 =	sld [smem:$0x3F9F]  }
0x1a: {  	s8 =	sadd.s32 $0xFFFFE003, lr  }
0x1b: {  	s9 =	sadd.s32 $0xFFFFFEF7, lr;
	s5 =	simm.s32 $0xFFFFFFFF;
	p2 =	slt.u32 s8, $0xFFFFF086  }
0x1c: {  	p1 =	slt.u32 s9, $0xF7A;
	s5 =	simm.s32 @!p2 $0x0  }
0x1d: {  	s5 =	simm.s32 @p1 $0x1;
	p0 =	seq.s32 s7, s2  }
0x1e: {  	s7 =	smul.u32 @!p0 $0xF7A, s2;
	p2 =	seq.s32 @!p0 s5, $0x0  }
0x1f: {  	s9 =	smul.u32 $0xF7A, s1;
	s8 =	simm.s32 @!p0 $0x1BF5;
	p2 =	por !p2, p0  }
0x20: {  	[sflag:s8] =	ssyncset.s32 @!p0 $0xFFFFF086;
	s6 =	sadd.s32 @!p0 s3, s7;
	s7 =	simm.s32 @!p0 $0x108  }
0x21: {  	s3 =	sadd.s32 s3, s9;
	s6 =	sadd.s32 @!p0 $0x88, s6;
	s7 =	simm.s32 @p2 $0x1082  }
0x22: {  	[simem:s7], [sflag:s8] =	dma.local @!p0 [hbm:s6], $0xF7A  }
0x23: {  	s9 =	sor.u32 $0xD0000000, s2;
	s6 =	simm.s32 $0x108;
	_ =	swait.ge @!p0 [sflag:s8], $0x0  }
0x24: {  	s3 =	sadd.s32 $0x88, s3;
	s6 =	simm.s32 @!p1 $0x1082;
	[sflag:s4] =	ssyncset.s32 $0xFFFFF086  }
0x25: {  	[simem:s6], [sflag:s4] =	dma.local [hbm:s3], $0xF7A  }
0x26: {  	[smem:$0x3F9F] =	sst s1;
	(tag) =	ssettag s2;
	_ =	strace s9  }
0x27: {  	s1 =	sld [smem:$0x3FAF]  }
0x28: {  	s2 =	sld [smem:$0x3FB0]  }
0x29: {  	s4 =	sld [smem:$0x3FB2]  }
0x2a: {  	p0 =	seq.s32 s5, $0x0;
	s5 =	sld [smem:$0x3FB3]  }
0x2b: {  	s6 =	sld [smem:$0x3FB4]  }
0x2c: {  	s7 =	sld [smem:$0x3FB5]  }
0x2d: {  	s3 =	simm.s32 $0x108;
	s8 =	sld [smem:$0x3FB6]  }
0x2e: {  	s3 =	simm.s32 @!p0 $0x1082;
	s9 =	sld [smem:$0x3FB7]  }
0x2f: {  	lr =	sadd.s32 s0, s3;
	s0 =	sld [smem:$0x3FAE]  }
0x30: {  	s3 =	sld [smem:$0x3FB1]  }
0x31: {  	[smem:$0x3FBA] =	sst s10  }
0x32: {  	s10 =	sld [smem:$0x3FB8];
	_ =	sdelay $0x3  }
0x33: {  	p0 =	seq.s32 s10, $0x1;
	s10 =	sld [smem:$0x3FBA];
	_ =	sdelay $0x3  }
0x34: {  	[smem:$0x3FBA] =	sst s10  }
0x35: {  	s10 =	sld [smem:$0x3FB9];
	_ =	sdelay $0x3  }
0x36: {  	p1 =	seq.s32 s10, $0x1;
	s10 =	sld [smem:$0x3FBA];
	_ =	sdelay $0x3  }
0x37: {  	[smem:$0x3FBA] =	sst s10  }
0x38: {  	s10 =	sld [smem:$0x3FBB]  }
0x39: {  	_ = 	snop;
	(pc) =	sbr.ind lr, $3  }
0x3a: {  	_ = 	snop  }
0x3b: {  	_ = 	snop  }
0x3c: {  	p2 =	seq.s32 s10, $0x1;
	s10 =	sld [smem:$0x3FBA]  }
0x3d: {  	_ =	shalt  }
0x3e: {  	_ =	shalt  }
0x3f: {  	_ =	shalt  }
0x40: {  	_ =	shalt  }
0x41: {  	_ =	shalt  }
0x42: {  	_ =	shalt  }
0x43: {  	_ =	shalt  }
0x44: {  	_ =	shalt  }
0x45: {  	_ =	shalt  }
0x46: {  	_ =	shalt  }
0x47: {  	_ =	shalt  }
0x48: {  	_ =	shalt  }
0x49: {  	_ =	shalt  }
0x4a: {  	_ =	shalt  }
0x4b: {  	_ =	shalt  }
0x4c: {  	_ =	shalt  }
0x4d: {  	_ =	shalt  }
0x4e: {  	_ =	shalt  }
0x4f: {  	_ =	shalt  }
0x50: {  	_ =	shalt  }
0x51: {  	_ =	shalt  }
0x52: {  	_ =	shalt  }
0x53: {  	_ =	shalt  }
0x54: {  	_ =	shalt  }
0x55: {  	_ =	shalt  }
0x56: {  	_ =	shalt  }
0x57: {  	_ =	shalt  }
0x58: {  	_ =	shalt  }
0x59: {  	_ =	shalt  }
0x5a: {  	_ =	shalt  }
0x5b: {  	_ =	shalt  }
0x5c: {  	_ =	shalt  }
0x5d: {  	_ =	shalt  }
0x5e: {  	_ =	shalt  }
0x5f: {  	_ =	shalt  }
0x60: {  	_ =	shalt  }
0x61: {  	_ =	shalt  }
0x62: {  	_ =	shalt  }
0x63: {  	_ =	shalt  }
0x64: {  	_ =	shalt  }
0x65: {  	_ =	shalt  }
0x66: {  	_ =	shalt  }
0x67: {  	_ =	shalt  }
0x68: {  	_ =	shalt  }
0x69: {  	_ =	shalt  }
0x6a: {  	_ =	shalt  }
0x6b: {  	_ =	shalt  }
0x6c: {  	_ =	shalt  }
0x6d: {  	_ =	shalt  }
0x6e: {  	_ =	shalt  }
0x6f: {  	_ =	shalt  }
0x70: {  	_ =	shalt  }
0x71: {  	_ =	shalt  }
0x72: {  	_ =	shalt  }
0x73: {  	_ =	shalt  }
0x74: {  	_ =	shalt  }
0x75: {  	_ =	shalt  }
0x76: {  	_ =	shalt  }
0x77: {  	_ =	shalt  }
0x78: {  	_ =	shalt  }
0x79: {  	_ =	shalt  }
0x7a: {  	_ =	shalt  }
0x7b: {  	_ =	shalt  }
0x7c: {  	_ =	shalt  }
0x7d: {  	_ =	shalt  }
0x7e: {  	_ =	shalt  }
0x7f: {  	_ =	shalt  }
0x80: {  	_ =	shalt  }
0x81: {  	_ =	shalt  }
0x82: {  	_ =	shalt  }
0x83: {  	_ =	shalt  }
0x84: {  	_ =	shalt  }
0x85: {  	_ =	shalt  }
0x86: {  	_ =	shalt  }
0x87: {  	_ =	shalt  }
.Lfunc_end0:
.L_simem_size_0:
called_computation_lowered:
.L_overlay_start_0:
0x88: {  	s2 =	sld [smem:$0x3FD9]  }
0x89: {  	s3 =	sld [smem:$0x3FFE];
	_ =	sdelay $0x1  }
0x8a: {  	s1 =	srdreg.scid  }
0x8b: {  	s0 =	sand.u32 $0x1, s1  }
0x8c: {  	s14 =	sshll.u32 s0, $0xA;
	s2 =	sadd.s32 s3, s2  }
0x8d: {  	s2 =	sadd.s32 s2, s14  }
0x8e: {  	[smem:$0x3FC6] =	sst s2  }
0x8f: {  	_ = 	snop  }
0x90: {  	s2 =	sld [smem:$0x3FD0];
	_ =	sdelay $0x2  }
0x91: {  	s15 =	simm.s32 $0xA;
	s4 =	simm.s32 $0x10  }
0x92: {  	[smem:s4], [sflag:s15] =	dma.local [hbm:s2], $0x1  }
0x93: {  	_ =	swait.eq [sflag:s15], $0x1  }
0x94: {  	[sflag:s15] =	ssyncset.done $0x0  }
0x95: {  	s16 =	sld [smem:$0x10];
	[sflag:s15] =	ssyncadd.s32 $0xFFFFFFFF  }
0x96: {  	s17 =	sld [smem:$0x11];
	(tm) =	ssettm $0x1  }
0x97: {  	s18 =	sld [smem:$0x3FFB];
	_ =	sdelay $0x3  }
0x98: {  	_ =	strace s18  }
0x99: {  	s4 =	sld [smem:$0x3FFC];
	_ =	sdelay $0x3  }
0x9a: {  	_ =	strace s4  }
0x9b: {  	s4 =	sld [smem:$0x3FFD];
	_ =	sdelay $0x3  }
0x9c: {  	_ =	strace s4  }
0x9d: {  	_ =	strace $0x8FFFFFFF  }
0x9e: {  	s19 =	sld [smem:$0x3FDB];
	_ =	sdelay $0x1  }
0x9f: {  	s5 =	simm.s32 $_scs_section_size  }
0xa0: {  	s6 =	simm.s32 $_size__tile_overlayer_lowered;
	s7 =	simm.s32 $_tile_overlayer_lowered  }
0xa1: {  	s22 =	simm.s32 $0x1BFF;
	s21 =	sshll.u32 s7, $0x1;
	s4 =	sadd.s32 s5, s19  }
0xa2: {  	s8 =	simm.s32 $0x0;
	s20 =	sshll.u32 s6, $0x1;
	s6 =	sadd.s32 s21, s4  }
0xa3: {  	[timem:s8], [sflag:s22] =	dma.local [hbm:s6], s20  }
0xa4: {  	_ =	swait.ge [sflag:s22], s20  }
0xa5: {  	s5 =	ssub.s32 $0x0, s20;
	[sflag:s22] =	ssyncset.done $0x0  }
0xa6: {  	[sflag:s22] =	ssyncadd.s32 s5;
	_ =	sdelay $0x1  }
0xa7: {  	s23 =	simm.s32 $0x1B8B  }
0xa8: {  	_ =	swait.ge [sflag:s23], $0x1  }
0xa9: {  	[sflag:s23] =	ssyncset.done $0x0  }
0xaa: {  	s25 =	simm.s32 $0x1B8E;
	s24 =	sld [smem:$0x3FFE];
	[sflag:s23] =	ssyncadd.s32 $0xFFFFFFFF  }
0xab: {  	s26 =	simm.s32 $execute0_lowered;
	[smem:$0x3FD2] =	sst s25  }
0xac: {  	s6 =	sshll.u32 s26, $0x1;
	_ =	strace $0x80000046;
	[dreg:$0x1] =	wrdreg $0xFFFFFFFF  }
0xad: {  	s28 =	simm.s32 $_size_execute0_lowered;
	s4 =	sadd.s32 s4, s6;
	[dreg:$0x0] =	wrdreg $0x0  }
0xae: {  	s6 =	sshll.u32 s28, $0x1;
	[dreg:$0x2] =	wrdreg s4  }
0xaf: {  	[dreg:$0x3] =	wrdreg s6  }
0xb0: {  	[dreg:$0x4] =	wrdreg $0xC0  }
0xb1: {  	_ =	task [dreg:s8], $0x5FFFF  }
0xb2: {  	[dreg:$0x1] =	wrdreg $0xFFFFFFFF  }
0xb3: {  	[dreg:$0x0] =	wrdreg $0x60  }
0xb4: {  	[dreg:$0x2] =	wrdreg s24  }
0xb5: {  	[dreg:$0x3] =	wrdreg s17  }
0xb6: {  	[dreg:$0x4] =	wrdreg s16  }
0xb7: {  	[dreg:$0x5] =	wrdreg $0x9  }
0xb8: {  	_ =	task.clear_ibuf [dreg:s8], $0x6FFFF;
	_ =	strace $0x90000046  }
0xb9: {  	s29 =	simm.s32 $0x9;
	_ =	strace $0x80000048  }
0xba: {  	_ =	swait.ge [sflag:s29], $0x1  }
0xbb: {  	[sflag:s29] =	ssyncadd.s32 $0xFFFFFFFF  }
0xbc: {  	_ =	strace $0x90000048  }
0xbd: {  	_ =	sfence  }
0xbe: {  	s30 =	sld [smem:$0x0];
	_ =	sdelay $0x2  }
0xbf: {  	s31 =	sshll.u32 s1, $0xD;
	s1 =	sshrl.u32 s1, $0x2  }
0xc0: {  	s3 =	sand.u32 $0x4000, s31;
	s1 =	sadd.s32 s1, s30  }
0xc1: {  	s0 =	sor.u32 s3, s0;
	s1 =	sshll.u32 s1, $0x11  }
0xc2: {  	s0 =	sor.u32 s1, s0  }
0xc3: {  	s0 =	sadd.s32 $0x8F2B, s0  }
0xc4: {  	[sflag:s0] =	ssyncadd.remote.s32 $0x1  }
0xc5: {  	_ =	sfence.sel $0xFFFF  }
0xc6: {  	[dreg:$0x0] =	wrdreg $0xFFFFFFFF;
	(pc) =	sbr.abs _section_cstart, $3  }
0xc7: {  	[dreg:$0x1] =	wrdreg $0xFFFFFFFF  }
0xc8: {  	_ =	task.clear_ibuf [dreg:s8], $0x2FFFF;
	_ =	strace $0x9FFFFFFF  }
0xc9: {  	(tm) =	ssettm $0x7FFFFFFF  }
tec
execute0_lowered:
.L_overlay_start_1:
0x0: {  	(tag) =	ssettag $0x1  }
0x1: {  	s1 =	rddreg [dreg:$0x0]  }
0x2: {  	s2 =	srdreg.scid;
	s3 =	rddreg [dreg:$0x1]  }
0x3: {  	s0 =	stileid.u32;
	s5 =	rddreg [dreg:$0x2];
	s8 =	simm.s32 $0x2800  }
0x4: {  	s9 =	simm.s32 $0x180;
	s25 =	simm.s32 $0x3800;
	s26 =	simm.s32 $0x200  }
0x5: {  	s11 =	simm.s32 $0x300;
	s12 =	simm.s32 $0x6800;
	s13 =	simm.s32 $0x380  }
0x6: {  	s14 =	simm.s32 $0x7800;
	s15 =	simm.s32 $0x400;
	s16 =	simm.s32 $0x8800  }
0x7: {  	s17 =	simm.s32 $0x480;
	s18 =	simm.s32 $0x9800;
	s19 =	simm.s32 $0x500  }
0x8: {  	s20 =	simm.s32 $0xA800;
	s21 =	simm.s32 $0x580;
	s22 =	simm.s32 $0xB800  }
0x9: {  	s23 =	simm.s32 $0x600;
	s24 =	simm.s32 $0xC800;
	s4 =	sand.u32 $0x1, s2  }
0xa: {  	s6 =	sshll.u32 s0, $0xC;
	s2 =	simm.s32 $0x0;
	s7 =	sshll.u32 s4, $0xB  }
0xb: {  	p0 =	por $0x0, $0x0;
	[smem:$0x7FF] =	sst s2;
	s6 =	sor.u32 s7, s6  }
0xc: {  	_ =	strace $0x80000047;
	s7 =	sshrl.u32 s6, $0x3;
	s6 =	sshll.u32 s6, $0x2  }
0xd: {  	s3 =	sadd.s32 s3, s7;
	s0 =	sadd.s32 s5, s6;
	s5 =	ssub.s32 $0x2, s4  }
0xe: {  	[dreg:$0x4] =	wrdreg s3;
	s3 =	simm.s32 $0x1800;
	s4 =	sshrl.u32 s5, $0x1  }
0xf: {  	s28 =	simm.s32 $0x700;
	[dreg:$0x6] =	wrdreg s3;
	s3 =	ssub.s32 s5, s4  }
0x10: {  	s29 =	simm.s32 $0xE800;
	[dreg:$0x8] =	wrdreg s8;
	s10 =	smax.u32 s3, $0x1  }
0x11: {  	s30 =	simm.s32 $0x780;
	[dreg:$0x9] =	wrdreg s9;
	p1 =	sne.s32 s10, $0x1  }
.Ltmp0:
0x12: {  	s31 =	simm.s32 $0xF800;
	[dreg:$0xa] =	wrdreg s25;
	(pc) =	sbr.rel @!p1 .LBB2_3-.Ltmp0, $4  }
0x13: {  	[dreg:$0xb] =	wrdreg s26;
	s25 =	simm.s32 $0x680;
	s26 =	simm.s32 $0xD800  }
0x14: {  	s6 =	sadd.s32 $0x100800, s1;
	s7 =	simm.s32 $0x100;
	[dreg:$0x5] =	wrdreg s0  }
0x15: {  	[dreg:$0x7] =	wrdreg s7;
	s7 =	simm.s32 $0x80;
	s4 =	simm.s32 $0x800  }
0x16: {  	s5 =	simm.s32 $0x1;
	s3 =	simm.s32 $0x2;
	s8 =	sadd.s32 $0xFFFFFFFF, s10  }
0x17: {  	s0 =	rddreg [dreg:$0x4]  }
0x18: {  	[tilespmem:s2], [sflag:$0x2] =	stream.linear.gather [hbm4b:s0+s2], $0x800, $0x38;
	[tilespmem:$0x10800] =	vst v63  }
0x19: {  	_ =	swait.ge [sflag:s3], $0x800  }
0x1a: {  	s10 =	rddreg [dreg:$0x7]  }
0x1b: {  	s1 =	rddreg [dreg:$0x6]  }
0x1c: {  	s0 =	rddreg [dreg:$0x8]  }
0x1d: {  	[sflag:s3] =	ssyncset.done $0x0;
	[dreg:$0xc] =	wrdreg s10  }
0x1e: {  	[sflag:s3] =	ssyncadd.s32 $0xFFFFF800;
	s10 =	rddreg [dreg:$0xa]  }
0x1f: {  	[tilespmem:s4], [sflag:$0x1] =	stream.indirect.gather [hbm4b:s6+s7], $0x20, s2, s7, $0xb8;
	[tilespmem:$0x10800] =	vst v63  }
0x20: {  	[dreg:$0xd] =	wrdreg s10  }
0x21: {  	s10 =	rddreg [dreg:$0xc]  }
0x22: {  	[tilespmem:s1], [sflag:$0x1] =	stream.indirect.gather [hbm4b:s6+s7], $0x20, s7, s7, $0xb8;
	[tilespmem:$0x10800] =	vst v63  }
0x23: {  	s1 =	rddreg [dreg:$0x9]  }
0x24: {  	[tilespmem:s0], [sflag:$0x1] =	stream.indirect.gather [hbm4b:s6+s7], $0x20, s10, s7, $0xb8;
	[tilespmem:$0x10800] =	vst v63  }
0x25: {  	s10 =	rddreg [dreg:$0xd]  }
0x26: {  	[tilespmem:s10], [sflag:$0x1] =	stream.indirect.gather [hbm4b:s6+s7], $0x20, s1, s7, $0xb8;
	[tilespmem:$0x10800] =	vst v63  }
0x27: {  	s9 =	simm.s32 $0x4800;
	s0 =	rddreg [dreg:$0xb]  }
0x28: {  	[tilespmem:s9], [sflag:$0x1] =	stream.indirect.gather [hbm4b:s6+s7], $0x20, s0, s7, $0xb8;
	[tilespmem:$0x10800] =	vst v63  }
0x29: {  	s1 =	simm.s32 $0x280;
	s9 =	simm.s32 $0x5800  }
0x2a: {  	[tilespmem:s9], [sflag:$0x1] =	stream.indirect.gather [hbm4b:s6+s7], $0x20, s1, s7, $0xb8;
	[tilespmem:$0x10800] =	vst v63  }
0x2b: {  	_ = 	snop  }
0x2c: {  	[tilespmem:s12], [sflag:$0x1] =	stream.indirect.gather [hbm4b:s6+s7], $0x20, s11, s7, $0xb8;
	[tilespmem:$0x10800] =	vst v63  }
0x2d: {  	_ = 	snop  }
0x2e: {  	[tilespmem:s14], [sflag:$0x1] =	stream.indirect.gather [hbm4b:s6+s7], $0x20, s13, s7, $0xb8;
	[tilespmem:$0x10800] =	vst v63  }
0x2f: {  	_ = 	snop  }
0x30: {  	[tilespmem:s16], [sflag:$0x1] =	stream.indirect.gather [hbm4b:s6+s7], $0x20, s15, s7, $0xb8;
	[tilespmem:$0x10800] =	vst v63  }
0x31: {  	_ = 	snop  }
0x32: {  	[tilespmem:s18], [sflag:$0x1] =	stream.indirect.gather [hbm4b:s6+s7], $0x20, s17, s7, $0xb8;
	[tilespmem:$0x10800] =	vst v63  }
0x33: {  	_ = 	snop  }
0x34: {  	[tilespmem:s20], [sflag:$0x1] =	stream.indirect.gather [hbm4b:s6+s7], $0x20, s19, s7, $0xb8;
	[tilespmem:$0x10800] =	vst v63  }
0x35: {  	_ = 	snop  }
0x36: {  	[tilespmem:s22], [sflag:$0x1] =	stream.indirect.gather [hbm4b:s6+s7], $0x20, s21, s7, $0xb8;
	[tilespmem:$0x10800] =	vst v63  }
0x37: {  	_ = 	snop  }
0x38: {  	[tilespmem:s24], [sflag:$0x1] =	stream.indirect.gather [hbm4b:s6+s7], $0x20, s23, s7, $0xb8;
	[tilespmem:$0x10800] =	vst v63  }
0x39: {  	_ = 	snop  }
0x3a: {  	[tilespmem:s26], [sflag:$0x1] =	stream.indirect.gather [hbm4b:s6+s7], $0x20, s25, s7, $0xb8;
	[tilespmem:$0x10800] =	vst v63  }
0x3b: {  	_ = 	snop  }
0x3c: {  	[tilespmem:s29], [sflag:$0x1] =	stream.indirect.gather [hbm4b:s6+s7], $0x20, s28, s7, $0xb8;
	[tilespmem:$0x10800] =	vst v63  }
0x3d: {  	_ = 	snop  }
0x3e: {  	[tilespmem:s31], [sflag:$0x1] =	stream.indirect.gather [hbm4b:s6+s7], $0x20, s30, s7, $0xb8;
	[tilespmem:$0x10800] =	vst v63  }
0x3f: {  	_ =	swait.ge [sflag:s5], $0x1000  }
0x40: {  	[sflag:s5] =	ssyncset.done $0x0  }
0x41: {  	[sflag:s5] =	ssyncadd.s32 $0xFFFFF000  }
0x42: {  	_ =	swait.ge [sflag:s5], $0x1000  }
0x43: {  	[sflag:s5] =	ssyncset.done $0x0  }
0x44: {  	[sflag:s5] =	ssyncadd.s32 $0xFFFFF000  }
0x45: {  	_ =	swait.ge [sflag:s5], $0x1000  }
0x46: {  	[sflag:s5] =	ssyncset.done $0x0  }
0x47: {  	[sflag:s5] =	ssyncadd.s32 $0xFFFFF000  }
0x48: {  	_ =	swait.ge [sflag:s5], $0x1000  }
0x49: {  	[sflag:s5] =	ssyncset.done $0x0  }
0x4a: {  	[sflag:s5] =	ssyncadd.s32 $0xFFFFF000  }
0x4b: {  	_ =	swait.ge [sflag:s5], $0x1000  }
0x4c: {  	[sflag:s5] =	ssyncset.done $0x0  }
0x4d: {  	[sflag:s5] =	ssyncadd.s32 $0xFFFFF000  }
0x4e: {  	_ =	swait.ge [sflag:s5], $0x1000  }
0x4f: {  	[sflag:s5] =	ssyncset.done $0x0  }
0x50: {  	[sflag:s5] =	ssyncadd.s32 $0xFFFFF000  }
0x51: {  	_ =	swait.ge [sflag:s5], $0x1000  }
0x52: {  	[sflag:s5] =	ssyncset.done $0x0  }
0x53: {  	[sflag:s5] =	ssyncadd.s32 $0xFFFFF000  }
0x54: {  	_ =	swait.ge [sflag:s5], $0x1000  }
0x55: {  	[sflag:s5] =	ssyncset.done $0x0  }
0x56: {  	[sflag:s5] =	ssyncadd.s32 $0xFFFFF000  }
0x57: {  	_ =	swait.ge [sflag:s5], $0x1000  }
0x58: {  	[sflag:s5] =	ssyncset.done $0x0  }
0x59: {  	[sflag:s5] =	ssyncadd.s32 $0xFFFFF000  }
0x5a: {  	_ =	swait.ge [sflag:s5], $0x1000  }
0x5b: {  	[sflag:s5] =	ssyncset.done $0x0  }
0x5c: {  	[sflag:s5] =	ssyncadd.s32 $0xFFFFF000  }
0x5d: {  	_ =	swait.ge [sflag:s5], $0x1000  }
0x5e: {  	[sflag:s5] =	ssyncset.done $0x0  }
0x5f: {  	[sflag:s5] =	ssyncadd.s32 $0xFFFFF000  }
0x60: {  	_ =	swait.ge [sflag:s5], $0x1000  }
0x61: {  	[sflag:s5] =	ssyncset.done $0x0  }
0x62: {  	[sflag:s5] =	ssyncadd.s32 $0xFFFFF000  }
0x63: {  	_ =	swait.ge [sflag:s5], $0x1000  }
0x64: {  	[sflag:s5] =	ssyncset.done $0x0  }
0x65: {  	[sflag:s5] =	ssyncadd.s32 $0xFFFFF000  }
0x66: {  	_ =	swait.ge [sflag:s5], $0x1000  }
0x67: {  	[sflag:s5] =	ssyncset.done $0x0  }
0x68: {  	[sflag:s5] =	ssyncadd.s32 $0xFFFFF000  }
0x69: {  	_ =	swait.ge [sflag:s5], $0x1000  }
0x6a: {  	p1 =	sne.s32 s8, $0x1;
	[sflag:s5] =	ssyncset.done $0x0  }
.Ltmp1:
0x6b: {  	[sflag:s5] =	ssyncadd.s32 $0xFFFFF000;
	(pc) =	sbr.rel @!p1 .LBB2_3-.Ltmp1, $4  }
0x6c: {  	_ =	swait.ge [sflag:s5], $0x1000  }
0x6d: {  	p0 =	por $0x1, $0x1;
	[sflag:s5] =	ssyncset.done $0x0  }
0x6e: {  	s1 =	sadd.s32 $0xFFFFFFFF, s8;
	s10 =	rddreg [dreg:$0x5];
	[sflag:s5] =	ssyncadd.s32 $0xFFFFF000  }
0x6f: {  	[hbm4b:s10+s2] =	stream.linear.scatter [tilespmem:s4], [sflag:$0x2], $0x10000, $0x38;
	[tilespmem:$0x10800] =	vst v63  }
.LBB2_2:
0x70: {  	_ =	swait.ge [sflag:s3], $0x10000  }
0x71: {  	[sflag:s3] =	ssyncset.done $0x0  }
0x72: {  	s0 =	rddreg [dreg:$0x4];
	[sflag:s3] =	ssyncadd.s32 $0xFFFF0000  }
0x73: {  	[tilespmem:s2], [sflag:$0x2] =	stream.linear.gather [hbm4b:s0+s2], $0x800, $0x38;
	[tilespmem:$0x10800] =	vst v63  }
0x74: {  	_ =	swait.ge [sflag:s3], $0x800  }
0x75: {  	s0 =	rddreg [dreg:$0x7];
	[sflag:s3] =	ssyncset.done $0x0  }
0x76: {  	s8 =	rddreg [dreg:$0x6];
	[sflag:s3] =	ssyncadd.s32 $0xFFFFF800  }
0x77: {  	[tilespmem:s4], [sflag:$0x1] =	stream.indirect.gather [hbm4b:s6+s7], $0x20, s2, s7, $0xb8;
	[tilespmem:$0x10800] =	vst v63  }
0x78: {  	s9 =	rddreg [dreg:$0x8]  }
0x79: {  	[tilespmem:s8], [sflag:$0x1] =	stream.indirect.gather [hbm4b:s6+s7], $0x20, s7, s7, $0xb8;
	[tilespmem:$0x10800] =	vst v63  }
0x7a: {  	s10 =	rddreg [dreg:$0xa]  }
0x7b: {  	[tilespmem:s9], [sflag:$0x1] =	stream.indirect.gather [hbm4b:s6+s7], $0x20, s0, s7, $0xb8;
	[tilespmem:$0x10800] =	vst v63  }
0x7c: {  	s8 =	rddreg [dreg:$0x9]  }
0x7d: {  	[tilespmem:s10], [sflag:$0x1] =	stream.indirect.gather [hbm4b:s6+s7], $0x20, s8, s7, $0xb8;
	[tilespmem:$0x10800] =	vst v63  }
0x7e: {  	s0 =	rddreg [dreg:$0xb];
	s8 =	simm.s32 $0x4800  }
0x7f: {  	[tilespmem:s8], [sflag:$0x1] =	stream.indirect.gather [hbm4b:s6+s7], $0x20, s0, s7, $0xb8;
	[tilespmem:$0x10800] =	vst v63  }
0x80: {  	s9 =	simm.s32 $0x280;
	s10 =	simm.s32 $0x5800  }
0x81: {  	[tilespmem:s10], [sflag:$0x1] =	stream.indirect.gather [hbm4b:s6+s7], $0x20, s9, s7, $0xb8;
	[tilespmem:$0x10800] =	vst v63  }
0x82: {  	_ = 	snop  }
0x83: {  	[tilespmem:s12], [sflag:$0x1] =	stream.indirect.gather [hbm4b:s6+s7], $0x20, s11, s7, $0xb8;
	[tilespmem:$0x10800] =	vst v63  }
0x84: {  	_ = 	snop  }
0x85: {  	[tilespmem:s14], [sflag:$0x1] =	stream.indirect.gather [hbm4b:s6+s7], $0x20, s13, s7, $0xb8;
	[tilespmem:$0x10800] =	vst v63  }
0x86: {  	_ = 	snop  }
0x87: {  	[tilespmem:s16], [sflag:$0x1] =	stream.indirect.gather [hbm4b:s6+s7], $0x20, s15, s7, $0xb8;
	[tilespmem:$0x10800] =	vst v63  }
0x88: {  	_ = 	snop  }
0x89: {  	[tilespmem:s18], [sflag:$0x1] =	stream.indirect.gather [hbm4b:s6+s7], $0x20, s17, s7, $0xb8;
	[tilespmem:$0x10800] =	vst v63  }
0x8a: {  	_ = 	snop  }
0x8b: {  	[tilespmem:s20], [sflag:$0x1] =	stream.indirect.gather [hbm4b:s6+s7], $0x20, s19, s7, $0xb8;
	[tilespmem:$0x10800] =	vst v63  }
0x8c: {  	_ = 	snop  }
0x8d: {  	[tilespmem:s22], [sflag:$0x1] =	stream.indirect.gather [hbm4b:s6+s7], $0x20, s21, s7, $0xb8;
	[tilespmem:$0x10800] =	vst v63  }
0x8e: {  	_ = 	snop  }
0x8f: {  	[tilespmem:s24], [sflag:$0x1] =	stream.indirect.gather [hbm4b:s6+s7], $0x20, s23, s7, $0xb8;
	[tilespmem:$0x10800] =	vst v63  }
0x90: {  	_ = 	snop  }
0x91: {  	[tilespmem:s26], [sflag:$0x1] =	stream.indirect.gather [hbm4b:s6+s7], $0x20, s25, s7, $0xb8;
	[tilespmem:$0x10800] =	vst v63  }
0x92: {  	_ = 	snop  }
0x93: {  	[tilespmem:s29], [sflag:$0x1] =	stream.indirect.gather [hbm4b:s6+s7], $0x20, s28, s7, $0xb8;
	[tilespmem:$0x10800] =	vst v63  }
0x94: {  	_ = 	snop  }
0x95: {  	[tilespmem:s31], [sflag:$0x1] =	stream.indirect.gather [hbm4b:s6+s7], $0x20, s30, s7, $0xb8;
	[tilespmem:$0x10800] =	vst v63  }
0x96: {  	_ =	swait.ge [sflag:s5], $0x1000  }
0x97: {  	[sflag:s5] =	ssyncset.done $0x0  }
0x98: {  	[sflag:s5] =	ssyncadd.s32 $0xFFFFF000  }
0x99: {  	_ =	swait.ge [sflag:s5], $0x1000  }
0x9a: {  	[sflag:s5] =	ssyncset.done $0x0  }
0x9b: {  	[sflag:s5] =	ssyncadd.s32 $0xFFFFF000  }
0x9c: {  	_ =	swait.ge [sflag:s5], $0x1000  }
0x9d: {  	[sflag:s5] =	ssyncset.done $0x0  }
0x9e: {  	[sflag:s5] =	ssyncadd.s32 $0xFFFFF000  }
0x9f: {  	_ =	swait.ge [sflag:s5], $0x1000  }
0xa0: {  	[sflag:s5] =	ssyncset.done $0x0  }
0xa1: {  	[sflag:s5] =	ssyncadd.s32 $0xFFFFF000  }
0xa2: {  	_ =	swait.ge [sflag:s5], $0x1000  }
0xa3: {  	[sflag:s5] =	ssyncset.done $0x0  }
0xa4: {  	[sflag:s5] =	ssyncadd.s32 $0xFFFFF000  }
0xa5: {  	_ =	swait.ge [sflag:s5], $0x1000  }
0xa6: {  	[sflag:s5] =	ssyncset.done $0x0  }
0xa7: {  	[sflag:s5] =	ssyncadd.s32 $0xFFFFF000  }
0xa8: {  	_ =	swait.ge [sflag:s5], $0x1000  }
0xa9: {  	[sflag:s5] =	ssyncset.done $0x0  }
0xaa: {  	[sflag:s5] =	ssyncadd.s32 $0xFFFFF000  }
0xab: {  	_ =	swait.ge [sflag:s5], $0x1000  }
0xac: {  	[sflag:s5] =	ssyncset.done $0x0  }
0xad: {  	[sflag:s5] =	ssyncadd.s32 $0xFFFFF000  }
0xae: {  	_ =	swait.ge [sflag:s5], $0x1000  }
0xaf: {  	[sflag:s5] =	ssyncset.done $0x0  }
0xb0: {  	[sflag:s5] =	ssyncadd.s32 $0xFFFFF000  }
0xb1: {  	_ =	swait.ge [sflag:s5], $0x1000  }
0xb2: {  	[sflag:s5] =	ssyncset.done $0x0  }
0xb3: {  	[sflag:s5] =	ssyncadd.s32 $0xFFFFF000  }
0xb4: {  	_ =	swait.ge [sflag:s5], $0x1000  }
0xb5: {  	[sflag:s5] =	ssyncset.done $0x0  }
0xb6: {  	[sflag:s5] =	ssyncadd.s32 $0xFFFFF000  }
0xb7: {  	_ =	swait.ge [sflag:s5], $0x1000  }
0xb8: {  	[sflag:s5] =	ssyncset.done $0x0  }
0xb9: {  	[sflag:s5] =	ssyncadd.s32 $0xFFFFF000  }
0xba: {  	_ =	swait.ge [sflag:s5], $0x1000  }
0xbb: {  	[sflag:s5] =	ssyncset.done $0x0  }
0xbc: {  	[sflag:s5] =	ssyncadd.s32 $0xFFFFF000  }
0xbd: {  	_ =	swait.ge [sflag:s5], $0x1000  }
0xbe: {  	[sflag:s5] =	ssyncset.done $0x0  }
0xbf: {  	[sflag:s5] =	ssyncadd.s32 $0xFFFFF000  }
0xc0: {  	_ =	swait.ge [sflag:s5], $0x1000  }
0xc1: {  	p1 =	sne.s32 s1, $0x1;
	[sflag:s5] =	ssyncset.done $0x0  }
.Ltmp2:
0xc2: {  	[sflag:s5] =	ssyncadd.s32 $0xFFFFF000;
	(pc) =	sbr.rel @p1 .LBB2_2-.Ltmp2, $4  }
0xc3: {  	_ =	swait.ge [sflag:s5], $0x1000  }
0xc4: {  	[sflag:s5] =	ssyncset.done $0x0  }
0xc5: {  	s1 =	sadd.s32 $0xFFFFFFFF, s1;
	s10 =	rddreg [dreg:$0x5];
	[sflag:s5] =	ssyncadd.s32 $0xFFFFF000  }
0xc6: {  	[hbm4b:s10+s2] =	stream.linear.scatter [tilespmem:s4], [sflag:$0x2], $0x10000, $0x38;
	[tilespmem:$0x10800] =	vst v63  }
.LBB2_3:
0xc7: {  	_ =	swait.ge @p0 [sflag:s3], $0x10000  }
0xc8: {  	[sflag:s3] =	ssyncset.done @p0 $0x0  }
0xc9: {  	s0 =	rddreg [dreg:$0x4];
	[sflag:s3] =	ssyncadd.s32 @p0 $0xFFFF0000  }
0xca: {  	[tilespmem:s2], [sflag:$0x2] =	stream.linear.gather [hbm4b:s0+s2], $0x800, $0x38;
	[tilespmem:$0x10800] =	vst v63  }
0xcb: {  	_ =	swait.ge [sflag:s3], $0x800  }
0xcc: {  	[sflag:s3] =	ssyncset.done $0x0;
	s10 =	rddreg [dreg:$0x6]  }
0xcd: {  	s0 =	rddreg [dreg:$0x7];
	[sflag:s3] =	ssyncadd.s32 $0xFFFFF800  }
0xce: {  	[tilespmem:s4], [sflag:$0x1] =	stream.indirect.gather [hbm4b:s6+s7], $0x20, s2, s7, $0xb8;
	[tilespmem:$0x10800] =	vst v63  }
0xcf: {  	s1 =	rddreg [dreg:$0x8]  }
0xd0: {  	[tilespmem:s10], [sflag:$0x1] =	stream.indirect.gather [hbm4b:s6+s7], $0x20, s7, s7, $0xb8;
	[tilespmem:$0x10800] =	vst v63  }
0xd1: {  	s8 =	rddreg [dreg:$0xa]  }
0xd2: {  	[tilespmem:s1], [sflag:$0x1] =	stream.indirect.gather [hbm4b:s6+s7], $0x20, s0, s7, $0xb8;
	[tilespmem:$0x10800] =	vst v63  }
0xd3: {  	s9 =	rddreg [dreg:$0x9]  }
0xd4: {  	[tilespmem:s8], [sflag:$0x1] =	stream.indirect.gather [hbm4b:s6+s7], $0x20, s9, s7, $0xb8;
	[tilespmem:$0x10800] =	vst v63  }
0xd5: {  	s10 =	simm.s32 $0x4800;
	s1 =	rddreg [dreg:$0xb]  }
0xd6: {  	[tilespmem:s10], [sflag:$0x1] =	stream.indirect.gather [hbm4b:s6+s7], $0x20, s1, s7, $0xb8;
	[tilespmem:$0x10800] =	vst v63  }
0xd7: {  	s9 =	simm.s32 $0x5800;
	s10 =	simm.s32 $0x280  }
0xd8: {  	[tilespmem:s9], [sflag:$0x1] =	stream.indirect.gather [hbm4b:s6+s7], $0x20, s10, s7, $0xb8;
	[tilespmem:$0x10800] =	vst v63  }
0xd9: {  	_ = 	snop  }
0xda: {  	[tilespmem:s12], [sflag:$0x1] =	stream.indirect.gather [hbm4b:s6+s7], $0x20, s11, s7, $0xb8;
	[tilespmem:$0x10800] =	vst v63  }
0xdb: {  	_ = 	snop  }
0xdc: {  	[tilespmem:s14], [sflag:$0x1] =	stream.indirect.gather [hbm4b:s6+s7], $0x20, s13, s7, $0xb8;
	[tilespmem:$0x10800] =	vst v63  }
0xdd: {  	_ = 	snop  }
0xde: {  	[tilespmem:s16], [sflag:$0x1] =	stream.indirect.gather [hbm4b:s6+s7], $0x20, s15, s7, $0xb8;
	[tilespmem:$0x10800] =	vst v63  }
0xdf: {  	_ = 	snop  }
0xe0: {  	[tilespmem:s18], [sflag:$0x1] =	stream.indirect.gather [hbm4b:s6+s7], $0x20, s17, s7, $0xb8;
	[tilespmem:$0x10800] =	vst v63  }
0xe1: {  	_ = 	snop  }
0xe2: {  	[tilespmem:s20], [sflag:$0x1] =	stream.indirect.gather [hbm4b:s6+s7], $0x20, s19, s7, $0xb8;
	[tilespmem:$0x10800] =	vst v63  }
0xe3: {  	_ = 	snop  }
0xe4: {  	[tilespmem:s22], [sflag:$0x1] =	stream.indirect.gather [hbm4b:s6+s7], $0x20, s21, s7, $0xb8;
	[tilespmem:$0x10800] =	vst v63  }
0xe5: {  	_ = 	snop  }
0xe6: {  	[tilespmem:s24], [sflag:$0x1] =	stream.indirect.gather [hbm4b:s6+s7], $0x20, s23, s7, $0xb8;
	[tilespmem:$0x10800] =	vst v63  }
0xe7: {  	_ = 	snop  }
0xe8: {  	[tilespmem:s26], [sflag:$0x1] =	stream.indirect.gather [hbm4b:s6+s7], $0x20, s25, s7, $0xb8;
	[tilespmem:$0x10800] =	vst v63  }
0xe9: {  	_ = 	snop  }
0xea: {  	[tilespmem:s29], [sflag:$0x1] =	stream.indirect.gather [hbm4b:s6+s7], $0x20, s28, s7, $0xb8;
	[tilespmem:$0x10800] =	vst v63  }
0xeb: {  	_ = 	snop  }
0xec: {  	[tilespmem:s31], [sflag:$0x1] =	stream.indirect.gather [hbm4b:s6+s7], $0x20, s30, s7, $0xb8;
	[tilespmem:$0x10800] =	vst v63  }
0xed: {  	_ =	swait.ge [sflag:s5], $0x1000  }
0xee: {  	[sflag:s5] =	ssyncset.done $0x0  }
0xef: {  	[sflag:s5] =	ssyncadd.s32 $0xFFFFF000  }
0xf0: {  	_ =	swait.ge [sflag:s5], $0x1000  }
0xf1: {  	[sflag:s5] =	ssyncset.done $0x0  }
0xf2: {  	[sflag:s5] =	ssyncadd.s32 $0xFFFFF000  }
0xf3: {  	_ =	swait.ge [sflag:s5], $0x1000  }
0xf4: {  	[sflag:s5] =	ssyncset.done $0x0  }
0xf5: {  	[sflag:s5] =	ssyncadd.s32 $0xFFFFF000  }
0xf6: {  	_ =	swait.ge [sflag:s5], $0x1000  }
0xf7: {  	[sflag:s5] =	ssyncset.done $0x0  }
0xf8: {  	[sflag:s5] =	ssyncadd.s32 $0xFFFFF000  }
0xf9: {  	_ =	swait.ge [sflag:s5], $0x1000  }
0xfa: {  	[sflag:s5] =	ssyncset.done $0x0  }
0xfb: {  	[sflag:s5] =	ssyncadd.s32 $0xFFFFF000  }
0xfc: {  	_ =	swait.ge [sflag:s5], $0x1000  }
0xfd: {  	[sflag:s5] =	ssyncset.done $0x0  }
0xfe: {  	[sflag:s5] =	ssyncadd.s32 $0xFFFFF000  }
0xff: {  	_ =	swait.ge [sflag:s5], $0x1000  }
0x100: {  	[sflag:s5] =	ssyncset.done $0x0  }
0x101: {  	[sflag:s5] =	ssyncadd.s32 $0xFFFFF000  }
0x102: {  	_ =	swait.ge [sflag:s5], $0x1000  }
0x103: {  	[sflag:s5] =	ssyncset.done $0x0  }
0x104: {  	[sflag:s5] =	ssyncadd.s32 $0xFFFFF000  }
0x105: {  	_ =	swait.ge [sflag:s5], $0x1000  }
0x106: {  	[sflag:s5] =	ssyncset.done $0x0  }
0x107: {  	[sflag:s5] =	ssyncadd.s32 $0xFFFFF000  }
0x108: {  	_ =	swait.ge [sflag:s5], $0x1000  }
0x109: {  	[sflag:s5] =	ssyncset.done $0x0  }
0x10a: {  	[sflag:s5] =	ssyncadd.s32 $0xFFFFF000  }
0x10b: {  	_ =	swait.ge [sflag:s5], $0x1000  }
0x10c: {  	[sflag:s5] =	ssyncset.done $0x0  }
0x10d: {  	[sflag:s5] =	ssyncadd.s32 $0xFFFFF000  }
0x10e: {  	_ =	swait.ge [sflag:s5], $0x1000  }
0x10f: {  	[sflag:s5] =	ssyncset.done $0x0  }
0x110: {  	[sflag:s5] =	ssyncadd.s32 $0xFFFFF000  }
0x111: {  	_ =	swait.ge [sflag:s5], $0x1000  }
0x112: {  	[sflag:s5] =	ssyncset.done $0x0  }
0x113: {  	[sflag:s5] =	ssyncadd.s32 $0xFFFFF000  }
0x114: {  	_ =	swait.ge [sflag:s5], $0x1000  }
0x115: {  	[sflag:s5] =	ssyncset.done $0x0  }
0x116: {  	[sflag:s5] =	ssyncadd.s32 $0xFFFFF000  }
0x117: {  	_ =	swait.ge [sflag:s5], $0x1000  }
0x118: {  	[sflag:s5] =	ssyncset.done $0x0  }
0x119: {  	[sflag:s5] =	ssyncadd.s32 $0xFFFFF000  }
0x11a: {  	_ =	swait.ge [sflag:s5], $0x1000  }
0x11b: {  	[sflag:s5] =	ssyncset.done $0x0  }
0x11c: {  	s30 =	rddreg [dreg:$0x5];
	[sflag:s5] =	ssyncadd.s32 $0xFFFFF000  }
0x11d: {  	[hbm4b:s30+s2] =	stream.linear.scatter [tilespmem:s4], [sflag:$0x2], $0x10000, $0x38;
	[tilespmem:$0x10800] =	vst v63  }
0x11e: {  	_ =	swait.ge [sflag:s3], $0x10000  }
0x11f: {  	[sflag:s3] =	ssyncset.done $0x0  }
0x120: {  	[sflag:s3] =	ssyncadd.s32 $0xFFFF0000  }
0x121: {  	_ =	sfence.sel $0x180000  }
0x122: {  	[bflag:$0x0] =	sbarrier.arrive $0xFFFF  }
0x123: {  	_ =	strace $0x90000047  }
0x124: {  	s31 =	stileid.u32;
	[bflag:$0x2] =	sbarrier.arrive $0xFFFF  }
0x125: {  	p0 =	sne.s32 s31, $0x0;
	s0 =	rddreg [dreg:$0x3]  }
0x126: {  	s0 =	sadd.s32 @!p0 $0x100000, s0  }
0x127: {  	[sflag:s0] =	ssyncadd.tile.s32 @!p0 $0x1;
	_ =	shalt  }
.Lfunc_end2:
_tile_overlayer_lowered:
.L_overlay_start_2:
0x128: {  	(tag) =	ssettag $0x2  }
0x129: {  	s0 =	rddreg [dreg:$0x0];
	s2 =	stileid.u32  }
0x12a: {  	s1 =	rddreg [dreg:$0x1];
	p0 =	sne.s32 s2, $0x0  }
0x12b: {  	s3 =	rddreg [dreg:$0x2];
	[bflag:$0x3] =	sbarrier.arrive $0xFFFF;
	s2 =	simm.s32 @!p0 $0x1C02  }
0x12c: {  	[timem:s3], [sflag:s2] =	dma.local @!p0 [hbm:s0], s1  }
0x12d: {  	s0 =	simm.s32 @!p0 $0x2  }
0x12e: {  	_ =	swait.ge @!p0 [sflag:s0], s1  }
0x12f: {  	s1 =	ssub.s32 @!p0 $0x0, s1;
	[sflag:s0] =	ssyncset.done @!p0 $0x0  }
0x130: {  	[sflag:s0] =	ssyncadd.s32 @!p0 s1  }
0x131: {  	[bflag:$0x3] =	sbarrier.arrive $0xFFFF  }
0x132: {  	_ =	shalt  }

</sc_bundles>
